<compile_context>
chip_gen: v7x
topology: tpu7x:2x2x1
jax: 0.10.2.dev20260603
libtpu: 0.0.44.dev20260713+nightly
codegen_flags: <defaults>
</compile_context>

<pallas_src>
import functools

import jax
import jax.numpy as jnp
from jax import lax
from jax.experimental import pallas as pl
from jax.experimental.pallas import tpu as pltpu
from jax.experimental.pallas import tpu_sc as plsc

N_NODES = 10000
B = 20000
DIM_MEM = 128
DIM_EDGE = 64
DIM_TIME = 64
N_PAD = 10240
NW = 32
NPW = N_PAD // NW
BLK_R = 1024
EF_PAD = 128
EV_CHUNK = 16
N_EV_IT = B // EV_CHUNK


B_PAD = 20480
EV_PER_TILE = B_PAD // 16
N_HALF = N_PAD // 2


def _sc_body(src_hbm, dst_hbm, times_hbm, ef_hbm,
             ef_s_out, ef_d_out, t_s_out, t_d_out, m_s_out, m_d_out,
             nids_v, times_v, priv_v, tab_v, safe_v, tbuf_v, mbuf_v, rows_v,
             ef_sh, scr_sh, sem, sem_t):
  core = lax.axis_index("c")
  sub = lax.axis_index("s")
  sc_lo = core * N_HALF
  row = core * 16 + sub
  lo = sc_lo + sub * NPW
  ev_lo = sub * EV_PER_TILE

  times_cp = pltpu.async_copy(times_hbm, times_v, sem_t)

  with jax.named_scope("p_stage"):
    evs = 1256
    off = jnp.minimum(sub * evs, B - evs)
    pltpu.sync_copy(ef_hbm.at[pl.ds(off, evs)], ef_sh.at[pl.ds(off, evs)])

  first = True
  for nids_hbm, ef_out, t_out, m_out in (
      (src_hbm, ef_s_out, t_s_out, m_s_out),
      (dst_hbm, ef_d_out, t_d_out, m_d_out),
  ):
    pltpu.sync_copy(nids_hbm.at[pl.ds(ev_lo, EV_PER_TILE)], nids_v)

    def init_body(i, _):
      priv_v[pl.ds(i * EV_CHUNK, EV_CHUNK)] = jnp.full(
          (EV_CHUNK,), -1, jnp.int32)
      return 0
    with jax.named_scope("p_init"):
      lax.fori_loop(0, N_HALF // EV_CHUNK, init_body, 0)

    def ev_body(i, _):
      nid = nids_v[pl.ds(i * EV_CHUNK, EV_CHUNK)]
      rel = nid - sc_lo
      inr = (rel >= 0) & (rel < N_HALF)
      e = ev_lo + i * EV_CHUNK + lax.iota(jnp.int32, EV_CHUNK)
      _, lastm = plsc.scan_count(nid, inr)
      plsc.store_scatter(priv_v, [rel], e, mask=lastm & inr)
      return 0
    with jax.named_scope("p_scan"):
      lax.fori_loop(0, EV_PER_TILE // EV_CHUNK, ev_body, 0)

    with jax.named_scope("p_merge"):
      pltpu.sync_copy(priv_v, scr_sh.at[sub])
      plsc.subcore_barrier()
      pltpu.sync_copy(scr_sh.at[:, pl.ds(sub * NPW, NPW)], tab_v)
      plsc.subcore_barrier()

    if first:
      with jax.named_scope("p_times"):
        times_cp.wait()
      first = False

    def out_body(c, _):
      li = tab_v[0, pl.ds(c * EV_CHUNK, EV_CHUNK)]
      for r in range(1, 16):
        li = jnp.maximum(li, tab_v[r, pl.ds(c * EV_CHUNK, EV_CHUNK)])
      mask = li >= 0
      safe = jnp.maximum(li, 0)
      safe_v[pl.ds(c * EV_CHUNK, EV_CHUNK)] = safe
      tbuf_v[pl.ds(c * EV_CHUNK, EV_CHUNK)] = plsc.load_gather(
          times_v, [safe])
      mbuf_v[pl.ds(c * EV_CHUNK, EV_CHUNK)] = jnp.where(mask, 1.0, 0.0)
      return 0
    with jax.named_scope("p_out"):
      lax.fori_loop(0, NPW // EV_CHUNK, out_body, 0)

    with jax.named_scope("p_gather"):
      gchunk = 80
      cps = [
          pltpu.async_copy(
              ef_sh.at[safe_v.at[pl.ds(j * gchunk, gchunk)]],
              rows_v.at[pl.ds(j * gchunk, gchunk)],
              sem,
          )
          for j in range(NPW // gchunk)
      ]
      for cp in cps:
        cp.wait()

    with jax.named_scope("p_wb"):
      pltpu.sync_copy(rows_v, ef_out.at[pl.ds(lo, NPW)])
      pltpu.sync_copy(tbuf_v, t_out.at[pl.ds(lo, NPW)])
      pltpu.sync_copy(mbuf_v, m_out.at[pl.ds(lo, NPW)])


_sc_lastmsg = functools.partial(
    pl.kernel,
    out_type=[
        jax.ShapeDtypeStruct((N_PAD, DIM_EDGE), jnp.bfloat16),
        jax.ShapeDtypeStruct((N_PAD, DIM_EDGE), jnp.bfloat16),
        jax.ShapeDtypeStruct((N_PAD,), jnp.float32),
        jax.ShapeDtypeStruct((N_PAD,), jnp.float32),
        jax.ShapeDtypeStruct((N_PAD,), jnp.float32),
        jax.ShapeDtypeStruct((N_PAD,), jnp.float32),
    ],
    mesh=plsc.VectorSubcoreMesh(core_axis_name="c", subcore_axis_name="s"),
    compiler_params=pltpu.CompilerParams(
        needs_layout_passes=False, use_tc_tiling_on_sc=False),
    scratch_types=[
        pltpu.VMEM((B_PAD // 16,), jnp.int32),
        pltpu.VMEM((B,), jnp.float32),
        pltpu.VMEM((N_PAD // 2,), jnp.int32),
        pltpu.VMEM((16, NPW), jnp.int32),
        pltpu.VMEM((NPW,), jnp.int32),
        pltpu.VMEM((NPW,), jnp.float32),
        pltpu.VMEM((NPW,), jnp.float32),
        pltpu.VMEM((NPW, DIM_EDGE), jnp.bfloat16),
        pltpu.VMEM_SHARED((B, DIM_EDGE), jnp.bfloat16),
        pltpu.VMEM_SHARED((16, N_HALF), jnp.int32),
        pltpu.SemaphoreType.DMA,
        pltpu.SemaphoreType.DMA,
    ],
)(_sc_body)


def _sigmoid(x):
  return 1.0 / (1.0 + jnp.exp(-x))


def _gru_kernel(ef_s, t_s, m_s, ef_d, t_d, m_d, wx, whh, b_ih, b_hh, out):
  expo = jax.lax.broadcasted_iota(
      jnp.int32, (1, DIM_TIME), 1).astype(jnp.float32) * (9.0 / 63.0)
  freq = jnp.exp(-2.302585092994046 * expo)

  bih = b_ih[...]
  bhh = b_hh[...]

  tenc_s = jnp.cos(t_s[...] * freq)
  x_s = jnp.concatenate(
      [ef_s[:, :DIM_EDGE].astype(jnp.float32), tenc_s], axis=1)
  gi_s = jnp.dot(x_s, wx[...], preferred_element_type=jnp.float32) + bih

  r1 = _sigmoid(gi_s[:, :DIM_MEM] + bhh[:, :DIM_MEM])
  z1 = _sigmoid(gi_s[:, DIM_MEM:2 * DIM_MEM] + bhh[:, DIM_MEM:2 * DIM_MEM])
  n1 = jnp.tanh(gi_s[:, 2 * DIM_MEM:] + r1 * bhh[:, 2 * DIM_MEM:])
  h1 = (1.0 - z1) * n1
  mem1 = m_s[...] * h1

  gh = jnp.dot(mem1, whh[...], preferred_element_type=jnp.float32) + bhh

  tenc_d = jnp.cos(t_d[...] * freq)
  x_d = jnp.concatenate(
      [ef_d[:, :DIM_EDGE].astype(jnp.float32), tenc_d], axis=1)
  gi_d = jnp.dot(x_d, wx[...], preferred_element_type=jnp.float32) + bih

  r2 = _sigmoid(gi_d[:, :DIM_MEM] + gh[:, :DIM_MEM])
  z2 = _sigmoid(gi_d[:, DIM_MEM:2 * DIM_MEM] + gh[:, DIM_MEM:2 * DIM_MEM])
  n2 = jnp.tanh(gi_d[:, 2 * DIM_MEM:] + r2 * gh[:, 2 * DIM_MEM:])
  h2 = (1.0 - z2) * n2 + z2 * mem1

  md = m_d[...]
  out[...] = md * h2 + (1.0 - md) * mem1


@jax.jit
def kernel(src_nids, src_embeddings, dst_nids, dst_embeddings, edge_times,
           edge_features, memory, last_update, W_ih, W_hh, b_ih, b_hh):
  del src_embeddings, dst_embeddings, memory, last_update

  src_pad = jnp.pad(src_nids, (0, B_PAD - B), constant_values=N_PAD)
  dst_pad = jnp.pad(dst_nids, (0, B_PAD - B), constant_values=N_PAD)
  ef_bf = edge_features.astype(jnp.bfloat16)
  ef_s, ef_d, t_s, t_d, m_s, m_d = _sc_lastmsg(
      src_pad, dst_pad, edge_times, ef_bf)

  t_s = t_s[:, None]
  t_d = t_d[:, None]
  m_s = m_s[:, None]
  m_d = m_d[:, None]

  wx = W_ih[:, 2 * DIM_MEM:].T
  whh = W_hh.T
  bih2 = b_ih[None, :]
  bhh2 = b_hh[None, :]

  grid = (N_PAD // BLK_R,)
  row_spec = lambda c: pl.BlockSpec((BLK_R, c), lambda i: (i, 0))
  full_spec = lambda r, c: pl.BlockSpec((r, c), lambda i: (0, 0))

  out = pl.pallas_call(
      _gru_kernel,
      grid=grid,
      in_specs=[
          row_spec(DIM_EDGE), row_spec(1), row_spec(1),
          row_spec(DIM_EDGE), row_spec(1), row_spec(1),
          full_spec(DIM_MEM, 3 * DIM_MEM),
          full_spec(DIM_MEM, 3 * DIM_MEM),
          full_spec(1, 3 * DIM_MEM),
          full_spec(1, 3 * DIM_MEM),
      ],
      out_specs=row_spec(DIM_MEM),
      out_shape=jax.ShapeDtypeStruct((N_PAD, DIM_MEM), jnp.float32),
  )(ef_s, t_s, m_s, ef_d, t_d, m_d, wx, whh, bih2, bhh2)

  return out[:N_NODES]

# --- scband reference (transcript-rebuilt; emitter-appended) ---
"""Pipeline reference for scband-grumemory-62775241999069 (READ-ONLY COPY).

The authoritative reference and input builder live on the scoring server;
editing this copy changes nothing except your own understanding.
"""

import jax, jax.numpy as jnp
import numpy as np

N_NODES = 10000
B = 20000
DIM_MEM = 128
DIM_EDGE = 64
DIM_TIME = 64
DIM_MSG = 2 * DIM_MEM + DIM_EDGE + DIM_TIME  # 384


def fixed_time_encode(t):
    # TGN-style fixed time encoder: cos(t * w), w = 1 / 10^linspace(0, 9, dim)
    freq = 1.0 / (10.0 ** jnp.linspace(0.0, 9.0, DIM_TIME))
    return jnp.cos(t[:, None] * freq[None, :])


def gru_cell(x, h, W_ih, W_hh, b_ih, b_hh):
    gi = x @ W_ih.T + b_ih
    gh = h @ W_hh.T + b_hh
    i_r, i_z, i_n = jnp.split(gi, 3, axis=1)
    h_r, h_z, h_n = jnp.split(gh, 3, axis=1)
    r = jax.nn.sigmoid(i_r + h_r)
    z = jax.nn.sigmoid(i_z + h_z)
    n = jnp.tanh(i_n + r * h_n)
    return (1.0 - z) * n + z * h


def build_raw_messages(src, dst, edge_times, edge_features, memory, last_update):
    src_mem = memory[src]
    dst_mem = memory[dst]
    delta = edge_times - last_update[src]
    tenc = fixed_time_encode(delta)
    return jnp.concatenate([src_mem, dst_mem, edge_features, tenc], axis=1)


def apply_last_update(memory, last_update, nids, msgs, times, W_ih, W_hh, b_ih, b_hh):
    # 'last' reducer: for each unique nid keep the last message in event order,
    # then GRU-update its memory slot. Implemented as masked full-table update.
    idxs = jnp.arange(nids.shape[0], dtype=jnp.int32)
    last_idx = jnp.full((memory.shape[0],), -1, dtype=jnp.int32).at[nids].max(idxs)
    mask = last_idx >= 0
    safe_idx = jnp.where(mask, last_idx, 0)
    node_msg = msgs[safe_idx]
    node_time = times[safe_idx]
    new_h = gru_cell(node_msg, memory, W_ih, W_hh, b_ih, b_hh)
    memory = jnp.where(mask[:, None], new_h, memory)
    last_update = jnp.where(mask, node_time, last_update)
    return memory, last_update


def setup_inputs(seed: int = 0) -> dict:
    key = jax.random.key(seed)
    ks = jax.random.split(key, 10)
    src_nids = jax.random.randint(ks[0], (B,), 0, N_NODES, dtype=jnp.int32)
    src_embeddings = jax.random.normal(ks[1], (B, DIM_MEM), dtype=jnp.float32)
    dst_nids = jax.random.randint(ks[2], (B,), 0, N_NODES, dtype=jnp.int32)
    dst_embeddings = jax.random.normal(ks[3], (B, DIM_MEM), dtype=jnp.float32)
    edge_times = jax.random.uniform(ks[4], (B,), dtype=jnp.float32)
    edge_features = jax.random.normal(ks[5], (B, DIM_EDGE), dtype=jnp.float32)
    memory = jnp.zeros((N_NODES, DIM_MEM), dtype=jnp.float32)
    last_update = jnp.zeros((N_NODES,), dtype=jnp.float32)
    W_ih = jax.random.normal(ks[6], (3 * DIM_MEM, DIM_MSG), dtype=jnp.float32) * 0.05
    W_hh = jax.random.normal(ks[7], (3 * DIM_MEM, DIM_MEM), dtype=jnp.float32) * 0.05
    b_ih = jax.random.normal(ks[8], (3 * DIM_MEM,), dtype=jnp.float32) * 0.05
    b_hh = jax.random.normal(ks[9], (3 * DIM_MEM,), dtype=jnp.float32) * 0.05
    return {"src_nids": src_nids, "src_embeddings": src_embeddings, "dst_nids": dst_nids,
            "dst_embeddings": dst_embeddings, "edge_times": edge_times, "edge_features": edge_features,
            "memory": memory, "last_update": last_update,
            "W_ih": W_ih, "W_hh": W_hh, "b_ih": b_ih, "b_hh": b_hh}


def reference(src_nids, src_embeddings, dst_nids, dst_embeddings, edge_times, edge_features,
              memory, last_update, W_ih, W_hh, b_ih, b_hh):
    # update_memory(): both raw-message sets are built from the ORIGINAL memory/last_update,
    # then the src update is applied, then the dst update (dst overwrites on collision).
    src_msgs = build_raw_messages(src_nids, dst_nids, edge_times, edge_features, memory, last_update)
    dst_msgs = build_raw_messages(dst_nids, src_nids, edge_times, edge_features, memory, last_update)
    memory, last_update = apply_last_update(memory, last_update, src_nids, src_msgs, edge_times,
                                            W_ih, W_hh, b_ih, b_hh)
    memory, last_update = apply_last_update(memory, last_update, dst_nids, dst_msgs, edge_times,
                                            W_ih, W_hh, b_ih, b_hh)
    return memory

if __name__ == "__main__":
    import jax
    _d = setup_inputs()
    print(jax.jit(kernel)(*tuple(_d.values())))

</pallas_src>

<mosaic_0001>
#map = affine_map<(d0, d1) -> (0)>
#map1 = affine_map<(d0, d1) -> (0, 0)>
module attributes {stable_mosaic.version = 14 : i64} {
  func.func @_sc_body(%arg0: i32, %arg1: i32, %arg2: memref<20480xi32, #tpu.memory_space<hbm>>, %arg3: memref<20480xi32, #tpu.memory_space<hbm>>, %arg4: memref<20000xf32, #tpu.memory_space<hbm>>, %arg5: memref<20000x64xbf16, #tpu.memory_space<hbm>>, %arg6: memref<10240x64xbf16, #tpu.memory_space<hbm>>, %arg7: memref<10240x64xbf16, #tpu.memory_space<hbm>>, %arg8: memref<10240xf32, #tpu.memory_space<hbm>>, %arg9: memref<10240xf32, #tpu.memory_space<hbm>>, %arg10: memref<10240xf32, #tpu.memory_space<hbm>>, %arg11: memref<10240xf32, #tpu.memory_space<hbm>>, %arg12: memref<1280xi32, #tpu.memory_space<vmem>>, %arg13: memref<20000xf32, #tpu.memory_space<vmem>>, %arg14: memref<5120xi32, #tpu.memory_space<vmem>>, %arg15: memref<16x320xi32, #tpu.memory_space<vmem>>, %arg16: memref<320xi32, #tpu.memory_space<vmem>>, %arg17: memref<320xf32, #tpu.memory_space<vmem>>, %arg18: memref<320xf32, #tpu.memory_space<vmem>>, %arg19: memref<320x64xbf16, #tpu.memory_space<vmem>>, %arg20: memref<20000x64xbf16, #tpu.memory_space<vmem_shared>>, %arg21: memref<16x5120xi32, #tpu.memory_space<vmem_shared>>, %arg22: memref<!tpu.dma_semaphore, #tpu.memory_space<semaphore_mem>>, %arg23: memref<!tpu.dma_semaphore, #tpu.memory_space<semaphore_mem>>) attributes {dimension_semantics = [#tpu.dimension_semantics<core_parallel>, #tpu.dimension_semantics<subcore_parallel>], iteration_bounds = array<i64: 2, 16>, scalar_prefetch = 0 : i64, scratch_operands = 12 : i64, tpu.core_type = #tpu.core_type<sc_vector_subcore>, window_params = [{transform_indices = #map}, {transform_indices = #map}, {transform_indices = #map}, {transform_indices = #map1}, {transform_indices = #map1}, {transform_indices = #map1}, {transform_indices = #map}, {transform_indices = #map}, {transform_indices = #map}, {transform_indices = #map}]} {
    %mul3A = arith.constant 5120 : i32
    %mul3A_0 = arith.muli %arg0, %mul3A : i32
    %mul3A_1 = arith.constant 16 : i32
    %mul3A_2 = arith.muli %arg0, %mul3A_1 : i32
    %add3A = arith.addi %mul3A_2, %arg1 : i32
    %mul3A_3 = arith.constant 320 : i32
    %mul3A_4 = arith.muli %arg1, %mul3A_3 : i32
    %add3A_5 = arith.addi %mul3A_0, %mul3A_4 : i32
    %mul3A_6 = arith.constant 1280 : i32
    %mul3A_7 = arith.muli %arg1, %mul3A_6 : i32
    tpu.enqueue_dma source(%arg4 : memref<20000xf32, #tpu.memory_space<hbm>>) target(%arg13 : memref<20000xf32, #tpu.memory_space<vmem>>) target_semaphore(%arg23 : memref<!tpu.dma_semaphore, #tpu.memory_space<semaphore_mem>>)
    "tpu.trace_start"() <{level = 10 : i32, message = "p_stage"}> : () -> ()
    %mul3A_8 = arith.constant 1256 : i32
    %mul3A_9 = arith.muli %arg1, %mul3A_8 : i32
    %min3A = arith.constant 18744 : i32
    %min3A_10 = arith.minsi %mul3A_9, %min3A : i32
    "tpu.region"() ({
      %run_scoped3A = tpu.sem_alloc : memref<!tpu.dma_semaphore, #tpu.memory_space<semaphore_mem>>
      %dma_start3A_185 = arith.constant 0 : i32
      %dma_start3A_186 = tpu.memref_slice %arg20[%min3A_10, %dma_start3A_185] : memref<20000x64xbf16, #tpu.memory_space<vmem_shared>> -> memref<1256x64xbf16, #tpu.memory_space<vmem_shared>>
      %dma_start3A_187 = arith.constant 0 : i32
      %dma_start3A_188 = tpu.memref_slice %arg5[%min3A_10, %dma_start3A_187] : memref<20000x64xbf16, #tpu.memory_space<hbm>> -> memref<1256x64xbf16, #tpu.memory_space<hbm>>
      tpu.enqueue_dma source(%dma_start3A_188 : memref<1256x64xbf16, #tpu.memory_space<hbm>>) target(%dma_start3A_186 : memref<1256x64xbf16, #tpu.memory_space<vmem_shared>>) target_semaphore(%run_scoped3A : memref<!tpu.dma_semaphore, #tpu.memory_space<semaphore_mem>>)
      %dma_wait3A_189 = arith.constant 0 : i32
      %dma_wait3A_190 = tpu.memref_slice %arg20[%min3A_10, %dma_wait3A_189] : memref<20000x64xbf16, #tpu.memory_space<vmem_shared>> -> memref<1256x64xbf16, #tpu.memory_space<vmem_shared>>
      %dma_wait3A_191 = arith.constant 0 : i32
      %dma_wait3A_192 = tpu.memref_slice %arg5[%min3A_10, %dma_wait3A_191] : memref<20000x64xbf16, #tpu.memory_space<hbm>> -> memref<1256x64xbf16, #tpu.memory_space<hbm>>
      tpu.wait_dma2 semaphore(%run_scoped3A : memref<!tpu.dma_semaphore, #tpu.memory_space<semaphore_mem>>) src(%dma_wait3A_192 : memref<1256x64xbf16, #tpu.memory_space<hbm>>) dst(%dma_wait3A_190 : memref<1256x64xbf16, #tpu.memory_space<vmem_shared>>)
      tpu.yield
    }) : () -> ()
    "tpu.trace_stop"() : () -> ()
    "tpu.region"() ({
      %run_scoped3A = tpu.sem_alloc : memref<!tpu.dma_semaphore, #tpu.memory_space<semaphore_mem>>
      %dma_start3A_185 = tpu.memref_slice %arg2[%mul3A_7] : memref<20480xi32, #tpu.memory_space<hbm>> -> memref<1280xi32, #tpu.memory_space<hbm>>
      %dma_start3A_186 = tpu.memref_slice %arg2[%mul3A_7] : memref<20480xi32, #tpu.memory_space<hbm>> -> memref<1280xi32, #tpu.memory_space<hbm>>
      tpu.enqueue_dma source(%dma_start3A_186 : memref<1280xi32, #tpu.memory_space<hbm>>) target(%arg12 : memref<1280xi32, #tpu.memory_space<vmem>>) target_semaphore(%run_scoped3A : memref<!tpu.dma_semaphore, #tpu.memory_space<semaphore_mem>>)
      %dma_wait3A_187 = tpu.memref_slice %arg2[%mul3A_7] : memref<20480xi32, #tpu.memory_space<hbm>> -> memref<1280xi32, #tpu.memory_space<hbm>>
      %dma_wait3A_188 = tpu.memref_slice %arg2[%mul3A_7] : memref<20480xi32, #tpu.memory_space<hbm>> -> memref<1280xi32, #tpu.memory_space<hbm>>
      tpu.wait_dma2 semaphore(%run_scoped3A : memref<!tpu.dma_semaphore, #tpu.memory_space<semaphore_mem>>) src(%dma_wait3A_188 : memref<1280xi32, #tpu.memory_space<hbm>>) dst(%arg12 : memref<1280xi32, #tpu.memory_space<vmem>>)
      tpu.yield
    }) : () -> ()
    "tpu.trace_start"() <{level = 10 : i32, message = "p_init"}> : () -> ()
    %scan3A = arith.constant 0 : i32
    %scan3A_11 = arith.constant 0 : i32
    %scan3A_12 = arith.constant 320 : i32
    %scan3A_13 = arith.addi %scan3A_11, %scan3A_12 : i32
    %scan3A_14 = arith.constant 1 : i32
    %scan3A_15 = scf.for %scan3A_185 = %scan3A_11 to %scan3A_13 step %scan3A_14 iter_args(%scan3A_186 = %scan3A) -> (i32)  : i32 {
      %broadcast_in_dim3A = arith.constant -1 : i32
      %broadcast_in_dim3A_187 = vector.broadcast %broadcast_in_dim3A : i32 to vector<16xi32>
      %mul3A_188 = arith.constant 16 : i32
      %mul3A_189 = arith.muli %scan3A_185, %mul3A_188 : i32
      %swap3A = arith.index_cast %mul3A_189 : i32 to index
      %swap3A_190 = tpu.vector_load %arg14[%swap3A] {strides = array<i32>} : memref<5120xi32, #tpu.memory_space<vmem>>, vector<16xi32>,
      tpu.vector_store %arg14[%swap3A], %broadcast_in_dim3A_187 {strides = array<i32>} : memref<5120xi32, #tpu.memory_space<vmem>>, vector<16xi32>,
      %scan3A_191 = arith.constant 0 : i32
      scf.yield %scan3A_191 : i32
    }
    %scan3A_16 = arith.constant 320 : i32
    "tpu.trace_stop"() : () -> ()
    "tpu.trace_start"() <{level = 10 : i32, message = "p_scan"}> : () -> ()
    %scan3A_17 = arith.constant 0 : i32
    %scan3A_18 = arith.constant 0 : i32
    %scan3A_19 = arith.constant 80 : i32
    %scan3A_20 = arith.addi %scan3A_18, %scan3A_19 : i32
    %scan3A_21 = arith.constant 1 : i32
    %scan3A_22 = scf.for %scan3A_185 = %scan3A_18 to %scan3A_20 step %scan3A_21 iter_args(%scan3A_186 = %scan3A_17) -> (i32)  : i32 {
      %mul3A_187 = arith.constant 16 : i32
      %mul3A_188 = arith.muli %scan3A_185, %mul3A_187 : i32
      %get3A = arith.index_cast %mul3A_188 : i32 to index
      %get3A_189 = tpu.vector_load %arg12[%get3A] {strides = array<i32>} : memref<1280xi32, #tpu.memory_space<vmem>>, vector<16xi32>,
      %sub3A = vector.broadcast %mul3A_0 : i32 to vector<16xi32>
      %sub3A_190 = arith.subi %get3A_189, %sub3A : vector<16xi32>
      %ge3A = arith.constant 0 : i32
      %ge3A_191 = vector.broadcast %ge3A : i32 to vector<16xi32>
      %ge3A_192 = arith.cmpi sge, %sub3A_190, %ge3A_191 : vector<16xi32>
      %lt3A = arith.constant 5120 : i32
      %lt3A_193 = vector.broadcast %lt3A : i32 to vector<16xi32>
      %lt3A_194 = arith.cmpi slt, %sub3A_190, %lt3A_193 : vector<16xi32>
      %and3A = arith.andi %ge3A_192, %lt3A_194 : vector<16xi1>
      %mul3A_195 = arith.constant 16 : i32
      %mul3A_196 = arith.muli %scan3A_185, %mul3A_195 : i32
      %add3A_197 = arith.addi %mul3A_7, %mul3A_196 : i32
      %iota3A = tpu.iota {dimensions = array<i32: 0>} : vector<16xi32>
      %add3A_198 = vector.broadcast %add3A_197 : i32 to vector<16xi32>
      %add3A_199 = arith.addi %add3A_198, %iota3A : vector<16xi32>
      %unique3A, %unique3A_200 = tpu.scan_count mask(%and3A : vector<16xi1>) value(%get3A_189 : vector<16xi32>) : vector<16xi1>, vector<16xi32>
      %and3A_201 = arith.andi %unique3A, %and3A : vector<16xi1>
      tpu.vector_store_idx %arg14[%sub3A_190], %add3A_199 masked %and3A_201 : memref<5120xi32, #tpu.memory_space<vmem>>[vector<16xi32>], vector<16xi32>, vector<16xi1>
      %scan3A_202 = arith.constant 0 : i32
      scf.yield %scan3A_202 : i32
    }
    %scan3A_23 = arith.constant 80 : i32
    "tpu.trace_stop"() : () -> ()
    "tpu.trace_start"() <{level = 10 : i32, message = "p_merge"}> : () -> ()
    "tpu.region"() ({
      %run_scoped3A = tpu.sem_alloc : memref<!tpu.dma_semaphore, #tpu.memory_space<semaphore_mem>>
      %dma_start3A_185 = arith.constant 0 : i32
      %dma_start3A_186 = tpu.memref_slice %arg21[%arg1, %dma_start3A_185] : memref<16x5120xi32, #tpu.memory_space<vmem_shared>> -> memref<1x5120xi32, #tpu.memory_space<vmem_shared>>
      %dma_start3A_187 = tpu.memref_squeeze %dma_start3A_186 : memref<1x5120xi32, #tpu.memory_space<vmem_shared>> -> memref<5120xi32, #tpu.memory_space<vmem_shared>>
      %dma_start3A_188 = arith.constant 0 : i32
      %dma_start3A_189 = tpu.memref_slice %arg21[%arg1, %dma_start3A_188] : memref<16x5120xi32, #tpu.memory_space<vmem_shared>> -> memref<1x5120xi32, #tpu.memory_space<vmem_shared>>
      %dma_start3A_190 = tpu.memref_squeeze %dma_start3A_189 : memref<1x5120xi32, #tpu.memory_space<vmem_shared>> -> memref<5120xi32, #tpu.memory_space<vmem_shared>>
      tpu.enqueue_dma source(%arg14 : memref<5120xi32, #tpu.memory_space<vmem>>) target(%dma_start3A_190 : memref<5120xi32, #tpu.memory_space<vmem_shared>>) target_semaphore(%run_scoped3A : memref<!tpu.dma_semaphore, #tpu.memory_space<semaphore_mem>>)
      %dma_wait3A_191 = arith.constant 0 : i32
      %dma_wait3A_192 = tpu.memref_slice %arg21[%arg1, %dma_wait3A_191] : memref<16x5120xi32, #tpu.memory_space<vmem_shared>> -> memref<1x5120xi32, #tpu.memory_space<vmem_shared>>
      %dma_wait3A_193 = tpu.memref_squeeze %dma_wait3A_192 : memref<1x5120xi32, #tpu.memory_space<vmem_shared>> -> memref<5120xi32, #tpu.memory_space<vmem_shared>>
      %dma_wait3A_194 = arith.constant 0 : i32
      %dma_wait3A_195 = tpu.memref_slice %arg21[%arg1, %dma_wait3A_194] : memref<16x5120xi32, #tpu.memory_space<vmem_shared>> -> memref<1x5120xi32, #tpu.memory_space<vmem_shared>>
      %dma_wait3A_196 = tpu.memref_squeeze %dma_wait3A_195 : memref<1x5120xi32, #tpu.memory_space<vmem_shared>> -> memref<5120xi32, #tpu.memory_space<vmem_shared>>
      tpu.wait_dma2 semaphore(%run_scoped3A : memref<!tpu.dma_semaphore, #tpu.memory_space<semaphore_mem>>) src(%arg14 : memref<5120xi32, #tpu.memory_space<vmem>>) dst(%dma_wait3A_196 : memref<5120xi32, #tpu.memory_space<vmem_shared>>)
      tpu.yield
    }) : () -> ()
    %barrier3A = arith.constant 0 : index
    tpu.barrier barrier_id(%barrier3A)
    %mul3A_24 = arith.constant 320 : i32
    %mul3A_25 = arith.muli %arg1, %mul3A_24 : i32
    "tpu.region"() ({
      %run_scoped3A = tpu.sem_alloc : memref<!tpu.dma_semaphore, #tpu.memory_space<semaphore_mem>>
      %dma_start3A_185 = arith.constant 0 : i32
      %dma_start3A_186 = tpu.memref_slice %arg21[%dma_start3A_185, %mul3A_25] : memref<16x5120xi32, #tpu.memory_space<vmem_shared>> -> memref<16x320xi32, #tpu.memory_space<vmem_shared>>
      %dma_start3A_187 = arith.constant 0 : i32
      %dma_start3A_188 = tpu.memref_slice %arg21[%dma_start3A_187, %mul3A_25] : memref<16x5120xi32, #tpu.memory_space<vmem_shared>> -> memref<16x320xi32, #tpu.memory_space<vmem_shared>>
      tpu.enqueue_dma source(%dma_start3A_188 : memref<16x320xi32, #tpu.memory_space<vmem_shared>>) target(%arg15 : memref<16x320xi32, #tpu.memory_space<vmem>>) target_semaphore(%run_scoped3A : memref<!tpu.dma_semaphore, #tpu.memory_space<semaphore_mem>>)
      %dma_wait3A_189 = arith.constant 0 : i32
      %dma_wait3A_190 = tpu.memref_slice %arg21[%dma_wait3A_189, %mul3A_25] : memref<16x5120xi32, #tpu.memory_space<vmem_shared>> -> memref<16x320xi32, #tpu.memory_space<vmem_shared>>
      %dma_wait3A_191 = arith.constant 0 : i32
      %dma_wait3A_192 = tpu.memref_slice %arg21[%dma_wait3A_191, %mul3A_25] : memref<16x5120xi32, #tpu.memory_space<vmem_shared>> -> memref<16x320xi32, #tpu.memory_space<vmem_shared>>
      tpu.wait_dma2 semaphore(%run_scoped3A : memref<!tpu.dma_semaphore, #tpu.memory_space<semaphore_mem>>) src(%dma_wait3A_192 : memref<16x320xi32, #tpu.memory_space<vmem_shared>>) dst(%arg15 : memref<16x320xi32, #tpu.memory_space<vmem>>)
      tpu.yield
    }) : () -> ()
    %barrier3A_26 = arith.constant 0 : index
    tpu.barrier barrier_id(%barrier3A_26)
    "tpu.trace_stop"() : () -> ()
    "tpu.trace_start"() <{level = 10 : i32, message = "p_times"}> : () -> ()
    tpu.wait_dma2 semaphore(%arg23 : memref<!tpu.dma_semaphore, #tpu.memory_space<semaphore_mem>>) src(%arg4 : memref<20000xf32, #tpu.memory_space<hbm>>) dst(%arg13 : memref<20000xf32, #tpu.memory_space<vmem>>)
    "tpu.trace_stop"() : () -> ()
    "tpu.trace_start"() <{level = 10 : i32, message = "p_out"}> : () -> ()
    %scan3A_27 = arith.constant 0 : i32
    %scan3A_28 = arith.constant 0 : i32
    %scan3A_29 = arith.constant 20 : i32
    %scan3A_30 = arith.addi %scan3A_28, %scan3A_29 : i32
    %scan3A_31 = arith.constant 1 : i32
    %scan3A_32 = scf.for %scan3A_185 = %scan3A_28 to %scan3A_30 step %scan3A_31 iter_args(%scan3A_186 = %scan3A_27) -> (i32)  : i32 {
      %mul3A_187 = arith.constant 16 : i32
      %mul3A_188 = arith.muli %scan3A_185, %mul3A_187 : i32
      %get3A = arith.constant 0 : i32
      %get3A_189 = arith.index_cast %get3A : i32 to index
      %get3A_190 = arith.index_cast %mul3A_188 : i32 to index
      %get3A_191 = tpu.vector_load %arg15[%get3A_189, %get3A_190] {strides = array<i32>} : memref<16x320xi32, #tpu.memory_space<vmem>>, vector<16xi32>,
      %mul3A_192 = arith.constant 16 : i32
      %mul3A_193 = arith.muli %scan3A_185, %mul3A_192 : i32
      %get3A_194 = arith.constant 1 : i32
      %get3A_195 = arith.index_cast %get3A_194 : i32 to index
      %get3A_196 = arith.index_cast %mul3A_193 : i32 to index
      %get3A_197 = tpu.vector_load %arg15[%get3A_195, %get3A_196] {strides = array<i32>} : memref<16x320xi32, #tpu.memory_space<vmem>>, vector<16xi32>,
      %max3A = arith.maxsi %get3A_191, %get3A_197 : vector<16xi32>
      %mul3A_198 = arith.constant 16 : i32
      %mul3A_199 = arith.muli %scan3A_185, %mul3A_198 : i32
      %get3A_200 = arith.constant 2 : i32
      %get3A_201 = arith.index_cast %get3A_200 : i32 to index
      %get3A_202 = arith.index_cast %mul3A_199 : i32 to index
      %get3A_203 = tpu.vector_load %arg15[%get3A_201, %get3A_202] {strides = array<i32>} : memref<16x320xi32, #tpu.memory_space<vmem>>, vector<16xi32>,
      %max3A_204 = arith.maxsi %max3A, %get3A_203 : vector<16xi32>
      %mul3A_205 = arith.constant 16 : i32
      %mul3A_206 = arith.muli %scan3A_185, %mul3A_205 : i32
      %get3A_207 = arith.constant 3 : i32
      %get3A_208 = arith.index_cast %get3A_207 : i32 to index
      %get3A_209 = arith.index_cast %mul3A_206 : i32 to index
      %get3A_210 = tpu.vector_load %arg15[%get3A_208, %get3A_209] {strides = array<i32>} : memref<16x320xi32, #tpu.memory_space<vmem>>, vector<16xi32>,
      %max3A_211 = arith.maxsi %max3A_204, %get3A_210 : vector<16xi32>
      %mul3A_212 = arith.constant 16 : i32
      %mul3A_213 = arith.muli %scan3A_185, %mul3A_212 : i32
      %get3A_214 = arith.constant 4 : i32
      %get3A_215 = arith.index_cast %get3A_214 : i32 to index
      %get3A_216 = arith.index_cast %mul3A_213 : i32 to index
      %get3A_217 = tpu.vector_load %arg15[%get3A_215, %get3A_216] {strides = array<i32>} : memref<16x320xi32, #tpu.memory_space<vmem>>, vector<16xi32>,
      %max3A_218 = arith.maxsi %max3A_211, %get3A_217 : vector<16xi32>
      %mul3A_219 = arith.constant 16 : i32
      %mul3A_220 = arith.muli %scan3A_185, %mul3A_219 : i32
      %get3A_221 = arith.constant 5 : i32
      %get3A_222 = arith.index_cast %get3A_221 : i32 to index
      %get3A_223 = arith.index_cast %mul3A_220 : i32 to index
      %get3A_224 = tpu.vector_load %arg15[%get3A_222, %get3A_223] {strides = array<i32>} : memref<16x320xi32, #tpu.memory_space<vmem>>, vector<16xi32>,
      %max3A_225 = arith.maxsi %max3A_218, %get3A_224 : vector<16xi32>
      %mul3A_226 = arith.constant 16 : i32
      %mul3A_227 = arith.muli %scan3A_185, %mul3A_226 : i32
      %get3A_228 = arith.constant 6 : i32
      %get3A_229 = arith.index_cast %get3A_228 : i32 to index
      %get3A_230 = arith.index_cast %mul3A_227 : i32 to index
      %get3A_231 = tpu.vector_load %arg15[%get3A_229, %get3A_230] {strides = array<i32>} : memref<16x320xi32, #tpu.memory_space<vmem>>, vector<16xi32>,
      %max3A_232 = arith.maxsi %max3A_225, %get3A_231 : vector<16xi32>
      %mul3A_233 = arith.constant 16 : i32
      %mul3A_234 = arith.muli %scan3A_185, %mul3A_233 : i32
      %get3A_235 = arith.constant 7 : i32
      %get3A_236 = arith.index_cast %get3A_235 : i32 to index
      %get3A_237 = arith.index_cast %mul3A_234 : i32 to index
      %get3A_238 = tpu.vector_load %arg15[%get3A_236, %get3A_237] {strides = array<i32>} : memref<16x320xi32, #tpu.memory_space<vmem>>, vector<16xi32>,
      %max3A_239 = arith.maxsi %max3A_232, %get3A_238 : vector<16xi32>
      %mul3A_240 = arith.constant 16 : i32
      %mul3A_241 = arith.muli %scan3A_185, %mul3A_240 : i32
      %get3A_242 = arith.constant 8 : i32
      %get3A_243 = arith.index_cast %get3A_242 : i32 to index
      %get3A_244 = arith.index_cast %mul3A_241 : i32 to index
      %get3A_245 = tpu.vector_load %arg15[%get3A_243, %get3A_244] {strides = array<i32>} : memref<16x320xi32, #tpu.memory_space<vmem>>, vector<16xi32>,
      %max3A_246 = arith.maxsi %max3A_239, %get3A_245 : vector<16xi32>
      %mul3A_247 = arith.constant 16 : i32
      %mul3A_248 = arith.muli %scan3A_185, %mul3A_247 : i32
      %get3A_249 = arith.constant 9 : i32
      %get3A_250 = arith.index_cast %get3A_249 : i32 to index
      %get3A_251 = arith.index_cast %mul3A_248 : i32 to index
      %get3A_252 = tpu.vector_load %arg15[%get3A_250, %get3A_251] {strides = array<i32>} : memref<16x320xi32, #tpu.memory_space<vmem>>, vector<16xi32>,
      %max3A_253 = arith.maxsi %max3A_246, %get3A_252 : vector<16xi32>
      %mul3A_254 = arith.constant 16 : i32
      %mul3A_255 = arith.muli %scan3A_185, %mul3A_254 : i32
      %get3A_256 = arith.constant 10 : i32
      %get3A_257 = arith.index_cast %get3A_256 : i32 to index
      %get3A_258 = arith.index_cast %mul3A_255 : i32 to index
      %get3A_259 = tpu.vector_load %arg15[%get3A_257, %get3A_258] {strides = array<i32>} : memref<16x320xi32, #tpu.memory_space<vmem>>, vector<16xi32>,
      %max3A_260 = arith.maxsi %max3A_253, %get3A_259 : vector<16xi32>
      %mul3A_261 = arith.constant 16 : i32
      %mul3A_262 = arith.muli %scan3A_185, %mul3A_261 : i32
      %get3A_263 = arith.constant 11 : i32
      %get3A_264 = arith.index_cast %get3A_263 : i32 to index
      %get3A_265 = arith.index_cast %mul3A_262 : i32 to index
      %get3A_266 = tpu.vector_load %arg15[%get3A_264, %get3A_265] {strides = array<i32>} : memref<16x320xi32, #tpu.memory_space<vmem>>, vector<16xi32>,
      %max3A_267 = arith.maxsi %max3A_260, %get3A_266 : vector<16xi32>
      %mul3A_268 = arith.constant 16 : i32
      %mul3A_269 = arith.muli %scan3A_185, %mul3A_268 : i32
      %get3A_270 = arith.constant 12 : i32
      %get3A_271 = arith.index_cast %get3A_270 : i32 to index
      %get3A_272 = arith.index_cast %mul3A_269 : i32 to index
      %get3A_273 = tpu.vector_load %arg15[%get3A_271, %get3A_272] {strides = array<i32>} : memref<16x320xi32, #tpu.memory_space<vmem>>, vector<16xi32>,
      %max3A_274 = arith.maxsi %max3A_267, %get3A_273 : vector<16xi32>
      %mul3A_275 = arith.constant 16 : i32
      %mul3A_276 = arith.muli %scan3A_185, %mul3A_275 : i32
      %get3A_277 = arith.constant 13 : i32
      %get3A_278 = arith.index_cast %get3A_277 : i32 to index
      %get3A_279 = arith.index_cast %mul3A_276 : i32 to index
      %get3A_280 = tpu.vector_load %arg15[%get3A_278, %get3A_279] {strides = array<i32>} : memref<16x320xi32, #tpu.memory_space<vmem>>, vector<16xi32>,
      %max3A_281 = arith.maxsi %max3A_274, %get3A_280 : vector<16xi32>
      %mul3A_282 = arith.constant 16 : i32
      %mul3A_283 = arith.muli %scan3A_185, %mul3A_282 : i32
      %get3A_284 = arith.constant 14 : i32
      %get3A_285 = arith.index_cast %get3A_284 : i32 to index
      %get3A_286 = arith.index_cast %mul3A_283 : i32 to index
      %get3A_287 = tpu.vector_load %arg15[%get3A_285, %get3A_286] {strides = array<i32>} : memref<16x320xi32, #tpu.memory_space<vmem>>, vector<16xi32>,
      %max3A_288 = arith.maxsi %max3A_281, %get3A_287 : vector<16xi32>
      %mul3A_289 = arith.constant 16 : i32
      %mul3A_290 = arith.muli %scan3A_185, %mul3A_289 : i32
      %get3A_291 = arith.constant 15 : i32
      %get3A_292 = arith.index_cast %get3A_291 : i32 to index
      %get3A_293 = arith.index_cast %mul3A_290 : i32 to index
      %get3A_294 = tpu.vector_load %arg15[%get3A_292, %get3A_293] {strides = array<i32>} : memref<16x320xi32, #tpu.memory_space<vmem>>, vector<16xi32>,
      %max3A_295 = arith.maxsi %max3A_288, %get3A_294 : vector<16xi32>
      %ge3A = arith.constant 0 : i32
      %ge3A_296 = vector.broadcast %ge3A : i32 to vector<16xi32>
      %ge3A_297 = arith.cmpi sge, %max3A_295, %ge3A_296 : vector<16xi32>
      %max3A_298 = arith.constant 0 : i32
      %max3A_299 = vector.broadcast %max3A_298 : i32 to vector<16xi32>
      %max3A_300 = arith.maxsi %max3A_295, %max3A_299 : vector<16xi32>
      %mul3A_301 = arith.constant 16 : i32
      %mul3A_302 = arith.muli %scan3A_185, %mul3A_301 : i32
      %swap3A = arith.index_cast %mul3A_302 : i32 to index
      %swap3A_303 = tpu.vector_load %arg16[%swap3A] {strides = array<i32>} : memref<320xi32, #tpu.memory_space<vmem>>, vector<16xi32>,
      tpu.vector_store %arg16[%swap3A], %max3A_300 {strides = array<i32>} : memref<320xi32, #tpu.memory_space<vmem>>, vector<16xi32>,
      %gather3A = tpu.vector_load_idx %arg13[%max3A_300] : memref<20000xf32, #tpu.memory_space<vmem>>[vector<16xi32>], vector<16xf32>,
      %mul3A_304 = arith.constant 16 : i32
      %mul3A_305 = arith.muli %scan3A_185, %mul3A_304 : i32
      %swap3A_306 = arith.index_cast %mul3A_305 : i32 to index
      %swap3A_307 = tpu.vector_load %arg17[%swap3A_306] {strides = array<i32>} : memref<320xf32, #tpu.memory_space<vmem>>, vector<16xf32>,
      tpu.vector_store %arg17[%swap3A_306], %gather3A {strides = array<i32>} : memref<320xf32, #tpu.memory_space<vmem>>, vector<16xf32>,
      %jit3A = arith.constant 1.000000e+00 : f32
      %jit3A_308 = arith.constant 0.000000e+00 : f32
      %broadcast_in_dim3A = vector.broadcast %jit3A : f32 to vector<16xf32>
      %broadcast_in_dim3A_309 = vector.broadcast %jit3A_308 : f32 to vector<16xf32>
      %select_n3A = arith.select %ge3A_297, %broadcast_in_dim3A, %broadcast_in_dim3A_309 : vector<16xi1>, vector<16xf32>
      %mul3A_310 = arith.constant 16 : i32
      %mul3A_311 = arith.muli %scan3A_185, %mul3A_310 : i32
      %swap3A_312 = arith.index_cast %mul3A_311 : i32 to index
      %swap3A_313 = tpu.vector_load %arg18[%swap3A_312] {strides = array<i32>} : memref<320xf32, #tpu.memory_space<vmem>>, vector<16xf32>,
      tpu.vector_store %arg18[%swap3A_312], %select_n3A {strides = array<i32>} : memref<320xf32, #tpu.memory_space<vmem>>, vector<16xf32>,
      %scan3A_314 = arith.constant 0 : i32
      scf.yield %scan3A_314 : i32
    }
    %scan3A_33 = arith.constant 20 : i32
    "tpu.trace_stop"() : () -> ()
    "tpu.trace_start"() <{level = 10 : i32, message = "p_gather"}> : () -> ()
    %dma_start3A = arith.constant 0 : i32
    %dma_start3A_34 = arith.constant 0 : i32
    %dma_start3A_35 = tpu.memref_slice %arg19[%dma_start3A, %dma_start3A_34] : memref<320x64xbf16, #tpu.memory_space<vmem>> -> memref<80x64xbf16, #tpu.memory_space<vmem>>
    %dma_start3A_36 = arith.constant 0 : i32
    %dma_start3A_37 = tpu.memref_slice %arg16[%dma_start3A_36] : memref<320xi32, #tpu.memory_space<vmem>> -> memref<80xi32, #tpu.memory_space<vmem>>
    %dma_start3A_38 = arith.constant 0 : i32
    %dma_start3A_39 = arith.constant 0 : i32
    %dma_start3A_40 = tpu.memref_slice %arg20[%dma_start3A_38, %dma_start3A_39] : memref<20000x64xbf16, #tpu.memory_space<vmem_shared>> -> memref<20000x64xbf16, #tpu.memory_space<vmem_shared>>
    tpu.enqueue_indirect_dma source(%dma_start3A_40 : memref<20000x64xbf16, #tpu.memory_space<vmem_shared>>) target(%dma_start3A_35 : memref<80x64xbf16, #tpu.memory_space<vmem>>) offsets(%dma_start3A_37 : memref<80xi32, #tpu.memory_space<vmem>>) semaphore(%arg22 : memref<!tpu.dma_semaphore, #tpu.memory_space<semaphore_mem>>)
    %dma_start3A_41 = arith.constant 80 : i32
    %dma_start3A_42 = arith.constant 0 : i32
    %dma_start3A_43 = tpu.memref_slice %arg19[%dma_start3A_41, %dma_start3A_42] : memref<320x64xbf16, #tpu.memory_space<vmem>> -> memref<80x64xbf16, #tpu.memory_space<vmem>>
    %dma_start3A_44 = arith.constant 80 : i32
    %dma_start3A_45 = tpu.memref_slice %arg16[%dma_start3A_44] : memref<320xi32, #tpu.memory_space<vmem>> -> memref<80xi32, #tpu.memory_space<vmem>>
    %dma_start3A_46 = arith.constant 0 : i32
    %dma_start3A_47 = arith.constant 0 : i32
    %dma_start3A_48 = tpu.memref_slice %arg20[%dma_start3A_46, %dma_start3A_47] : memref<20000x64xbf16, #tpu.memory_space<vmem_shared>> -> memref<20000x64xbf16, #tpu.memory_space<vmem_shared>>
    tpu.enqueue_indirect_dma source(%dma_start3A_48 : memref<20000x64xbf16, #tpu.memory_space<vmem_shared>>) target(%dma_start3A_43 : memref<80x64xbf16, #tpu.memory_space<vmem>>) offsets(%dma_start3A_45 : memref<80xi32, #tpu.memory_space<vmem>>) semaphore(%arg22 : memref<!tpu.dma_semaphore, #tpu.memory_space<semaphore_mem>>)
    %dma_start3A_49 = arith.constant 160 : i32
    %dma_start3A_50 = arith.constant 0 : i32
    %dma_start3A_51 = tpu.memref_slice %arg19[%dma_start3A_49, %dma_start3A_50] : memref<320x64xbf16, #tpu.memory_space<vmem>> -> memref<80x64xbf16, #tpu.memory_space<vmem>>
    %dma_start3A_52 = arith.constant 160 : i32
    %dma_start3A_53 = tpu.memref_slice %arg16[%dma_start3A_52] : memref<320xi32, #tpu.memory_space<vmem>> -> memref<80xi32, #tpu.memory_space<vmem>>
    %dma_start3A_54 = arith.constant 0 : i32
    %dma_start3A_55 = arith.constant 0 : i32
    %dma_start3A_56 = tpu.memref_slice %arg20[%dma_start3A_54, %dma_start3A_55] : memref<20000x64xbf16, #tpu.memory_space<vmem_shared>> -> memref<20000x64xbf16, #tpu.memory_space<vmem_shared>>
    tpu.enqueue_indirect_dma source(%dma_start3A_56 : memref<20000x64xbf16, #tpu.memory_space<vmem_shared>>) target(%dma_start3A_51 : memref<80x64xbf16, #tpu.memory_space<vmem>>) offsets(%dma_start3A_53 : memref<80xi32, #tpu.memory_space<vmem>>) semaphore(%arg22 : memref<!tpu.dma_semaphore, #tpu.memory_space<semaphore_mem>>)
    %dma_start3A_57 = arith.constant 240 : i32
    %dma_start3A_58 = arith.constant 0 : i32
    %dma_start3A_59 = tpu.memref_slice %arg19[%dma_start3A_57, %dma_start3A_58] : memref<320x64xbf16, #tpu.memory_space<vmem>> -> memref<80x64xbf16, #tpu.memory_space<vmem>>
    %dma_start3A_60 = arith.constant 240 : i32
    %dma_start3A_61 = tpu.memref_slice %arg16[%dma_start3A_60] : memref<320xi32, #tpu.memory_space<vmem>> -> memref<80xi32, #tpu.memory_space<vmem>>
    %dma_start3A_62 = arith.constant 0 : i32
    %dma_start3A_63 = arith.constant 0 : i32
    %dma_start3A_64 = tpu.memref_slice %arg20[%dma_start3A_62, %dma_start3A_63] : memref<20000x64xbf16, #tpu.memory_space<vmem_shared>> -> memref<20000x64xbf16, #tpu.memory_space<vmem_shared>>
    tpu.enqueue_indirect_dma source(%dma_start3A_64 : memref<20000x64xbf16, #tpu.memory_space<vmem_shared>>) target(%dma_start3A_59 : memref<80x64xbf16, #tpu.memory_space<vmem>>) offsets(%dma_start3A_61 : memref<80xi32, #tpu.memory_space<vmem>>) semaphore(%arg22 : memref<!tpu.dma_semaphore, #tpu.memory_space<semaphore_mem>>)
    %dma_wait3A = arith.constant 0 : i32
    %dma_wait3A_65 = arith.constant 0 : i32
    %dma_wait3A_66 = tpu.memref_slice %arg19[%dma_wait3A, %dma_wait3A_65] : memref<320x64xbf16, #tpu.memory_space<vmem>> -> memref<80x64xbf16, #tpu.memory_space<vmem>>
    %dma_wait3A_67 = arith.constant 0 : i32
    %dma_wait3A_68 = tpu.memref_slice %arg16[%dma_wait3A_67] : memref<320xi32, #tpu.memory_space<vmem>> -> memref<80xi32, #tpu.memory_space<vmem>>
    %dma_wait3A_69 = arith.constant 0 : i32
    %dma_wait3A_70 = arith.constant 0 : i32
    %dma_wait3A_71 = tpu.memref_slice %arg20[%dma_wait3A_69, %dma_wait3A_70] : memref<20000x64xbf16, #tpu.memory_space<vmem_shared>> -> memref<20000x64xbf16, #tpu.memory_space<vmem_shared>>
    tpu.wait_indirect_dma semaphore(%arg22 : memref<!tpu.dma_semaphore, #tpu.memory_space<semaphore_mem>>) src(%dma_wait3A_71 : memref<20000x64xbf16, #tpu.memory_space<vmem_shared>>) dst(%dma_wait3A_66 : memref<80x64xbf16, #tpu.memory_space<vmem>>)
    %dma_wait3A_72 = arith.constant 80 : i32
    %dma_wait3A_73 = arith.constant 0 : i32
    %dma_wait3A_74 = tpu.memref_slice %arg19[%dma_wait3A_72, %dma_wait3A_73] : memref<320x64xbf16, #tpu.memory_space<vmem>> -> memref<80x64xbf16, #tpu.memory_space<vmem>>
    %dma_wait3A_75 = arith.constant 80 : i32
    %dma_wait3A_76 = tpu.memref_slice %arg16[%dma_wait3A_75] : memref<320xi32, #tpu.memory_space<vmem>> -> memref<80xi32, #tpu.memory_space<vmem>>
    %dma_wait3A_77 = arith.constant 0 : i32
    %dma_wait3A_78 = arith.constant 0 : i32
    %dma_wait3A_79 = tpu.memref_slice %arg20[%dma_wait3A_77, %dma_wait3A_78] : memref<20000x64xbf16, #tpu.memory_space<vmem_shared>> -> memref<20000x64xbf16, #tpu.memory_space<vmem_shared>>
    tpu.wait_indirect_dma semaphore(%arg22 : memref<!tpu.dma_semaphore, #tpu.memory_space<semaphore_mem>>) src(%dma_wait3A_79 : memref<20000x64xbf16, #tpu.memory_space<vmem_shared>>) dst(%dma_wait3A_74 : memref<80x64xbf16, #tpu.memory_space<vmem>>)
    %dma_wait3A_80 = arith.constant 160 : i32
    %dma_wait3A_81 = arith.constant 0 : i32
    %dma_wait3A_82 = tpu.memref_slice %arg19[%dma_wait3A_80, %dma_wait3A_81] : memref<320x64xbf16, #tpu.memory_space<vmem>> -> memref<80x64xbf16, #tpu.memory_space<vmem>>
    %dma_wait3A_83 = arith.constant 160 : i32
    %dma_wait3A_84 = tpu.memref_slice %arg16[%dma_wait3A_83] : memref<320xi32, #tpu.memory_space<vmem>> -> memref<80xi32, #tpu.memory_space<vmem>>
    %dma_wait3A_85 = arith.constant 0 : i32
    %dma_wait3A_86 = arith.constant 0 : i32
    %dma_wait3A_87 = tpu.memref_slice %arg20[%dma_wait3A_85, %dma_wait3A_86] : memref<20000x64xbf16, #tpu.memory_space<vmem_shared>> -> memref<20000x64xbf16, #tpu.memory_space<vmem_shared>>
    tpu.wait_indirect_dma semaphore(%arg22 : memref<!tpu.dma_semaphore, #tpu.memory_space<semaphore_mem>>) src(%dma_wait3A_87 : memref<20000x64xbf16, #tpu.memory_space<vmem_shared>>) dst(%dma_wait3A_82 : memref<80x64xbf16, #tpu.memory_space<vmem>>)
    %dma_wait3A_88 = arith.constant 240 : i32
    %dma_wait3A_89 = arith.constant 0 : i32
    %dma_wait3A_90 = tpu.memref_slice %arg19[%dma_wait3A_88, %dma_wait3A_89] : memref<320x64xbf16, #tpu.memory_space<vmem>> -> memref<80x64xbf16, #tpu.memory_space<vmem>>
    %dma_wait3A_91 = arith.constant 240 : i32
    %dma_wait3A_92 = tpu.memref_slice %arg16[%dma_wait3A_91] : memref<320xi32, #tpu.memory_space<vmem>> -> memref<80xi32, #tpu.memory_space<vmem>>
    %dma_wait3A_93 = arith.constant 0 : i32
    %dma_wait3A_94 = arith.constant 0 : i32
    %dma_wait3A_95 = tpu.memref_slice %arg20[%dma_wait3A_93, %dma_wait3A_94] : memref<20000x64xbf16, #tpu.memory_space<vmem_shared>> -> memref<20000x64xbf16, #tpu.memory_space<vmem_shared>>
    tpu.wait_indirect_dma semaphore(%arg22 : memref<!tpu.dma_semaphore, #tpu.memory_space<semaphore_mem>>) src(%dma_wait3A_95 : memref<20000x64xbf16, #tpu.memory_space<vmem_shared>>) dst(%dma_wait3A_90 : memref<80x64xbf16, #tpu.memory_space<vmem>>)
    "tpu.trace_stop"() : () -> ()
    "tpu.trace_start"() <{level = 10 : i32, message = "p_wb"}> : () -> ()
    "tpu.region"() ({
      %run_scoped3A = tpu.sem_alloc : memref<!tpu.dma_semaphore, #tpu.memory_space<semaphore_mem>>
      %dma_start3A_185 = arith.constant 0 : i32
      %dma_start3A_186 = tpu.memref_slice %arg6[%add3A_5, %dma_start3A_185] : memref<10240x64xbf16, #tpu.memory_space<hbm>> -> memref<320x64xbf16, #tpu.memory_space<hbm>>
      %dma_start3A_187 = arith.constant 0 : i32
      %dma_start3A_188 = tpu.memref_slice %arg6[%add3A_5, %dma_start3A_187] : memref<10240x64xbf16, #tpu.memory_space<hbm>> -> memref<320x64xbf16, #tpu.memory_space<hbm>>
      tpu.enqueue_dma source(%arg19 : memref<320x64xbf16, #tpu.memory_space<vmem>>) target(%dma_start3A_188 : memref<320x64xbf16, #tpu.memory_space<hbm>>) target_semaphore(%run_scoped3A : memref<!tpu.dma_semaphore, #tpu.memory_space<semaphore_mem>>)
      %dma_wait3A_189 = arith.constant 0 : i32
      %dma_wait3A_190 = tpu.memref_slice %arg6[%add3A_5, %dma_wait3A_189] : memref<10240x64xbf16, #tpu.memory_space<hbm>> -> memref<320x64xbf16, #tpu.memory_space<hbm>>
      %dma_wait3A_191 = arith.constant 0 : i32
      %dma_wait3A_192 = tpu.memref_slice %arg6[%add3A_5, %dma_wait3A_191] : memref<10240x64xbf16, #tpu.memory_space<hbm>> -> memref<320x64xbf16, #tpu.memory_space<hbm>>
      tpu.wait_dma2 semaphore(%run_scoped3A : memref<!tpu.dma_semaphore, #tpu.memory_space<semaphore_mem>>) src(%arg19 : memref<320x64xbf16, #tpu.memory_space<vmem>>) dst(%dma_wait3A_192 : memref<320x64xbf16, #tpu.memory_space<hbm>>)
      tpu.yield
    }) : () -> ()
    "tpu.region"() ({
      %run_scoped3A = tpu.sem_alloc : memref<!tpu.dma_semaphore, #tpu.memory_space<semaphore_mem>>
      %dma_start3A_185 = tpu.memref_slice %arg8[%add3A_5] : memref<10240xf32, #tpu.memory_space<hbm>> -> memref<320xf32, #tpu.memory_space<hbm>>
      %dma_start3A_186 = tpu.memref_slice %arg8[%add3A_5] : memref<10240xf32, #tpu.memory_space<hbm>> -> memref<320xf32, #tpu.memory_space<hbm>>
      tpu.enqueue_dma source(%arg17 : memref<320xf32, #tpu.memory_space<vmem>>) target(%dma_start3A_186 : memref<320xf32, #tpu.memory_space<hbm>>) target_semaphore(%run_scoped3A : memref<!tpu.dma_semaphore, #tpu.memory_space<semaphore_mem>>)
      %dma_wait3A_187 = tpu.memref_slice %arg8[%add3A_5] : memref<10240xf32, #tpu.memory_space<hbm>> -> memref<320xf32, #tpu.memory_space<hbm>>
      %dma_wait3A_188 = tpu.memref_slice %arg8[%add3A_5] : memref<10240xf32, #tpu.memory_space<hbm>> -> memref<320xf32, #tpu.memory_space<hbm>>
      tpu.wait_dma2 semaphore(%run_scoped3A : memref<!tpu.dma_semaphore, #tpu.memory_space<semaphore_mem>>) src(%arg17 : memref<320xf32, #tpu.memory_space<vmem>>) dst(%dma_wait3A_188 : memref<320xf32, #tpu.memory_space<hbm>>)
      tpu.yield
    }) : () -> ()
    "tpu.region"() ({
      %run_scoped3A = tpu.sem_alloc : memref<!tpu.dma_semaphore, #tpu.memory_space<semaphore_mem>>
      %dma_start3A_185 = tpu.memref_slice %arg10[%add3A_5] : memref<10240xf32, #tpu.memory_space<hbm>> -> memref<320xf32, #tpu.memory_space<hbm>>
      %dma_start3A_186 = tpu.memref_slice %arg10[%add3A_5] : memref<10240xf32, #tpu.memory_space<hbm>> -> memref<320xf32, #tpu.memory_space<hbm>>
      tpu.enqueue_dma source(%arg18 : memref<320xf32, #tpu.memory_space<vmem>>) target(%dma_start3A_186 : memref<320xf32, #tpu.memory_space<hbm>>) target_semaphore(%run_scoped3A : memref<!tpu.dma_semaphore, #tpu.memory_space<semaphore_mem>>)
      %dma_wait3A_187 = tpu.memref_slice %arg10[%add3A_5] : memref<10240xf32, #tpu.memory_space<hbm>> -> memref<320xf32, #tpu.memory_space<hbm>>
      %dma_wait3A_188 = tpu.memref_slice %arg10[%add3A_5] : memref<10240xf32, #tpu.memory_space<hbm>> -> memref<320xf32, #tpu.memory_space<hbm>>
      tpu.wait_dma2 semaphore(%run_scoped3A : memref<!tpu.dma_semaphore, #tpu.memory_space<semaphore_mem>>) src(%arg18 : memref<320xf32, #tpu.memory_space<vmem>>) dst(%dma_wait3A_188 : memref<320xf32, #tpu.memory_space<hbm>>)
      tpu.yield
    }) : () -> ()
    "tpu.trace_stop"() : () -> ()
    "tpu.region"() ({
      %run_scoped3A = tpu.sem_alloc : memref<!tpu.dma_semaphore, #tpu.memory_space<semaphore_mem>>
      %dma_start3A_185 = tpu.memref_slice %arg3[%mul3A_7] : memref<20480xi32, #tpu.memory_space<hbm>> -> memref<1280xi32, #tpu.memory_space<hbm>>
      %dma_start3A_186 = tpu.memref_slice %arg3[%mul3A_7] : memref<20480xi32, #tpu.memory_space<hbm>> -> memref<1280xi32, #tpu.memory_space<hbm>>
      tpu.enqueue_dma source(%dma_start3A_186 : memref<1280xi32, #tpu.memory_space<hbm>>) target(%arg12 : memref<1280xi32, #tpu.memory_space<vmem>>) target_semaphore(%run_scoped3A : memref<!tpu.dma_semaphore, #tpu.memory_space<semaphore_mem>>)
      %dma_wait3A_187 = tpu.memref_slice %arg3[%mul3A_7] : memref<20480xi32, #tpu.memory_space<hbm>> -> memref<1280xi32, #tpu.memory_space<hbm>>
      %dma_wait3A_188 = tpu.memref_slice %arg3[%mul3A_7] : memref<20480xi32, #tpu.memory_space<hbm>> -> memref<1280xi32, #tpu.memory_space<hbm>>
      tpu.wait_dma2 semaphore(%run_scoped3A : memref<!tpu.dma_semaphore, #tpu.memory_space<semaphore_mem>>) src(%dma_wait3A_188 : memref<1280xi32, #tpu.memory_space<hbm>>) dst(%arg12 : memref<1280xi32, #tpu.memory_space<vmem>>)
      tpu.yield
    }) : () -> ()
    "tpu.trace_start"() <{level = 10 : i32, message = "p_init"}> : () -> ()
    %scan3A_96 = arith.constant 0 : i32
    %scan3A_97 = arith.constant 0 : i32
    %scan3A_98 = arith.constant 320 : i32
    %scan3A_99 = arith.addi %scan3A_97, %scan3A_98 : i32
    %scan3A_100 = arith.constant 1 : i32
    %scan3A_101 = scf.for %scan3A_185 = %scan3A_97 to %scan3A_99 step %scan3A_100 iter_args(%scan3A_186 = %scan3A_96) -> (i32)  : i32 {
      %broadcast_in_dim3A = arith.constant -1 : i32
      %broadcast_in_dim3A_187 = vector.broadcast %broadcast_in_dim3A : i32 to vector<16xi32>
      %mul3A_188 = arith.constant 16 : i32
      %mul3A_189 = arith.muli %scan3A_185, %mul3A_188 : i32
      %swap3A = arith.index_cast %mul3A_189 : i32 to index
      %swap3A_190 = tpu.vector_load %arg14[%swap3A] {strides = array<i32>} : memref<5120xi32, #tpu.memory_space<vmem>>, vector<16xi32>,
      tpu.vector_store %arg14[%swap3A], %broadcast_in_dim3A_187 {strides = array<i32>} : memref<5120xi32, #tpu.memory_space<vmem>>, vector<16xi32>,
      %scan3A_191 = arith.constant 0 : i32
      scf.yield %scan3A_191 : i32
    }
    %scan3A_102 = arith.constant 320 : i32
    "tpu.trace_stop"() : () -> ()
    "tpu.trace_start"() <{level = 10 : i32, message = "p_scan"}> : () -> ()
    %scan3A_103 = arith.constant 0 : i32
    %scan3A_104 = arith.constant 0 : i32
    %scan3A_105 = arith.constant 80 : i32
    %scan3A_106 = arith.addi %scan3A_104, %scan3A_105 : i32
    %scan3A_107 = arith.constant 1 : i32
    %scan3A_108 = scf.for %scan3A_185 = %scan3A_104 to %scan3A_106 step %scan3A_107 iter_args(%scan3A_186 = %scan3A_103) -> (i32)  : i32 {
      %mul3A_187 = arith.constant 16 : i32
      %mul3A_188 = arith.muli %scan3A_185, %mul3A_187 : i32
      %get3A = arith.index_cast %mul3A_188 : i32 to index
      %get3A_189 = tpu.vector_load %arg12[%get3A] {strides = array<i32>} : memref<1280xi32, #tpu.memory_space<vmem>>, vector<16xi32>,
      %sub3A = vector.broadcast %mul3A_0 : i32 to vector<16xi32>
      %sub3A_190 = arith.subi %get3A_189, %sub3A : vector<16xi32>
      %ge3A = arith.constant 0 : i32
      %ge3A_191 = vector.broadcast %ge3A : i32 to vector<16xi32>
      %ge3A_192 = arith.cmpi sge, %sub3A_190, %ge3A_191 : vector<16xi32>
      %lt3A = arith.constant 5120 : i32
      %lt3A_193 = vector.broadcast %lt3A : i32 to vector<16xi32>
      %lt3A_194 = arith.cmpi slt, %sub3A_190, %lt3A_193 : vector<16xi32>
      %and3A = arith.andi %ge3A_192, %lt3A_194 : vector<16xi1>
      %mul3A_195 = arith.constant 16 : i32
      %mul3A_196 = arith.muli %scan3A_185, %mul3A_195 : i32
      %add3A_197 = arith.addi %mul3A_7, %mul3A_196 : i32
      %iota3A = tpu.iota {dimensions = array<i32: 0>} : vector<16xi32>
      %add3A_198 = vector.broadcast %add3A_197 : i32 to vector<16xi32>
      %add3A_199 = arith.addi %add3A_198, %iota3A : vector<16xi32>
      %unique3A, %unique3A_200 = tpu.scan_count mask(%and3A : vector<16xi1>) value(%get3A_189 : vector<16xi32>) : vector<16xi1>, vector<16xi32>
      %and3A_201 = arith.andi %unique3A, %and3A : vector<16xi1>
      tpu.vector_store_idx %arg14[%sub3A_190], %add3A_199 masked %and3A_201 : memref<5120xi32, #tpu.memory_space<vmem>>[vector<16xi32>], vector<16xi32>, vector<16xi1>
      %scan3A_202 = arith.constant 0 : i32
      scf.yield %scan3A_202 : i32
    }
    %scan3A_109 = arith.constant 80 : i32
    "tpu.trace_stop"() : () -> ()
    "tpu.trace_start"() <{level = 10 : i32, message = "p_merge"}> : () -> ()
    "tpu.region"() ({
      %run_scoped3A = tpu.sem_alloc : memref<!tpu.dma_semaphore, #tpu.memory_space<semaphore_mem>>
      %dma_start3A_185 = arith.constant 0 : i32
      %dma_start3A_186 = tpu.memref_slice %arg21[%arg1, %dma_start3A_185] : memref<16x5120xi32, #tpu.memory_space<vmem_shared>> -> memref<1x5120xi32, #tpu.memory_space<vmem_shared>>
      %dma_start3A_187 = tpu.memref_squeeze %dma_start3A_186 : memref<1x5120xi32, #tpu.memory_space<vmem_shared>> -> memref<5120xi32, #tpu.memory_space<vmem_shared>>
      %dma_start3A_188 = arith.constant 0 : i32
      %dma_start3A_189 = tpu.memref_slice %arg21[%arg1, %dma_start3A_188] : memref<16x5120xi32, #tpu.memory_space<vmem_shared>> -> memref<1x5120xi32, #tpu.memory_space<vmem_shared>>
      %dma_start3A_190 = tpu.memref_squeeze %dma_start3A_189 : memref<1x5120xi32, #tpu.memory_space<vmem_shared>> -> memref<5120xi32, #tpu.memory_space<vmem_shared>>
      tpu.enqueue_dma source(%arg14 : memref<5120xi32, #tpu.memory_space<vmem>>) target(%dma_start3A_190 : memref<5120xi32, #tpu.memory_space<vmem_shared>>) target_semaphore(%run_scoped3A : memref<!tpu.dma_semaphore, #tpu.memory_space<semaphore_mem>>)
      %dma_wait3A_191 = arith.constant 0 : i32
      %dma_wait3A_192 = tpu.memref_slice %arg21[%arg1, %dma_wait3A_191] : memref<16x5120xi32, #tpu.memory_space<vmem_shared>> -> memref<1x5120xi32, #tpu.memory_space<vmem_shared>>
      %dma_wait3A_193 = tpu.memref_squeeze %dma_wait3A_192 : memref<1x5120xi32, #tpu.memory_space<vmem_shared>> -> memref<5120xi32, #tpu.memory_space<vmem_shared>>
      %dma_wait3A_194 = arith.constant 0 : i32
      %dma_wait3A_195 = tpu.memref_slice %arg21[%arg1, %dma_wait3A_194] : memref<16x5120xi32, #tpu.memory_space<vmem_shared>> -> memref<1x5120xi32, #tpu.memory_space<vmem_shared>>
      %dma_wait3A_196 = tpu.memref_squeeze %dma_wait3A_195 : memref<1x5120xi32, #tpu.memory_space<vmem_shared>> -> memref<5120xi32, #tpu.memory_space<vmem_shared>>
      tpu.wait_dma2 semaphore(%run_scoped3A : memref<!tpu.dma_semaphore, #tpu.memory_space<semaphore_mem>>) src(%arg14 : memref<5120xi32, #tpu.memory_space<vmem>>) dst(%dma_wait3A_196 : memref<5120xi32, #tpu.memory_space<vmem_shared>>)
      tpu.yield
    }) : () -> ()
    %barrier3A_110 = arith.constant 0 : index
    tpu.barrier barrier_id(%barrier3A_110)
    %mul3A_111 = arith.constant 320 : i32
    %mul3A_112 = arith.muli %arg1, %mul3A_111 : i32
    "tpu.region"() ({
      %run_scoped3A = tpu.sem_alloc : memref<!tpu.dma_semaphore, #tpu.memory_space<semaphore_mem>>
      %dma_start3A_185 = arith.constant 0 : i32
      %dma_start3A_186 = tpu.memref_slice %arg21[%dma_start3A_185, %mul3A_112] : memref<16x5120xi32, #tpu.memory_space<vmem_shared>> -> memref<16x320xi32, #tpu.memory_space<vmem_shared>>
      %dma_start3A_187 = arith.constant 0 : i32
      %dma_start3A_188 = tpu.memref_slice %arg21[%dma_start3A_187, %mul3A_112] : memref<16x5120xi32, #tpu.memory_space<vmem_shared>> -> memref<16x320xi32, #tpu.memory_space<vmem_shared>>
      tpu.enqueue_dma source(%dma_start3A_188 : memref<16x320xi32, #tpu.memory_space<vmem_shared>>) target(%arg15 : memref<16x320xi32, #tpu.memory_space<vmem>>) target_semaphore(%run_scoped3A : memref<!tpu.dma_semaphore, #tpu.memory_space<semaphore_mem>>)
      %dma_wait3A_189 = arith.constant 0 : i32
      %dma_wait3A_190 = tpu.memref_slice %arg21[%dma_wait3A_189, %mul3A_112] : memref<16x5120xi32, #tpu.memory_space<vmem_shared>> -> memref<16x320xi32, #tpu.memory_space<vmem_shared>>
      %dma_wait3A_191 = arith.constant 0 : i32
      %dma_wait3A_192 = tpu.memref_slice %arg21[%dma_wait3A_191, %mul3A_112] : memref<16x5120xi32, #tpu.memory_space<vmem_shared>> -> memref<16x320xi32, #tpu.memory_space<vmem_shared>>
      tpu.wait_dma2 semaphore(%run_scoped3A : memref<!tpu.dma_semaphore, #tpu.memory_space<semaphore_mem>>) src(%dma_wait3A_192 : memref<16x320xi32, #tpu.memory_space<vmem_shared>>) dst(%arg15 : memref<16x320xi32, #tpu.memory_space<vmem>>)
      tpu.yield
    }) : () -> ()
    %barrier3A_113 = arith.constant 0 : index
    tpu.barrier barrier_id(%barrier3A_113)
    "tpu.trace_stop"() : () -> ()
    "tpu.trace_start"() <{level = 10 : i32, message = "p_out"}> : () -> ()
    %scan3A_114 = arith.constant 0 : i32
    %scan3A_115 = arith.constant 0 : i32
    %scan3A_116 = arith.constant 20 : i32
    %scan3A_117 = arith.addi %scan3A_115, %scan3A_116 : i32
    %scan3A_118 = arith.constant 1 : i32
    %scan3A_119 = scf.for %scan3A_185 = %scan3A_115 to %scan3A_117 step %scan3A_118 iter_args(%scan3A_186 = %scan3A_114) -> (i32)  : i32 {
      %mul3A_187 = arith.constant 16 : i32
      %mul3A_188 = arith.muli %scan3A_185, %mul3A_187 : i32
      %get3A = arith.constant 0 : i32
      %get3A_189 = arith.index_cast %get3A : i32 to index
      %get3A_190 = arith.index_cast %mul3A_188 : i32 to index
      %get3A_191 = tpu.vector_load %arg15[%get3A_189, %get3A_190] {strides = array<i32>} : memref<16x320xi32, #tpu.memory_space<vmem>>, vector<16xi32>,
      %mul3A_192 = arith.constant 16 : i32
      %mul3A_193 = arith.muli %scan3A_185, %mul3A_192 : i32
      %get3A_194 = arith.constant 1 : i32
      %get3A_195 = arith.index_cast %get3A_194 : i32 to index
      %get3A_196 = arith.index_cast %mul3A_193 : i32 to index
      %get3A_197 = tpu.vector_load %arg15[%get3A_195, %get3A_196] {strides = array<i32>} : memref<16x320xi32, #tpu.memory_space<vmem>>, vector<16xi32>,
      %max3A = arith.maxsi %get3A_191, %get3A_197 : vector<16xi32>
      %mul3A_198 = arith.constant 16 : i32
      %mul3A_199 = arith.muli %scan3A_185, %mul3A_198 : i32
      %get3A_200 = arith.constant 2 : i32
      %get3A_201 = arith.index_cast %get3A_200 : i32 to index
      %get3A_202 = arith.index_cast %mul3A_199 : i32 to index
      %get3A_203 = tpu.vector_load %arg15[%get3A_201, %get3A_202] {strides = array<i32>} : memref<16x320xi32, #tpu.memory_space<vmem>>, vector<16xi32>,
      %max3A_204 = arith.maxsi %max3A, %get3A_203 : vector<16xi32>
      %mul3A_205 = arith.constant 16 : i32
      %mul3A_206 = arith.muli %scan3A_185, %mul3A_205 : i32
      %get3A_207 = arith.constant 3 : i32
      %get3A_208 = arith.index_cast %get3A_207 : i32 to index
      %get3A_209 = arith.index_cast %mul3A_206 : i32 to index
      %get3A_210 = tpu.vector_load %arg15[%get3A_208, %get3A_209] {strides = array<i32>} : memref<16x320xi32, #tpu.memory_space<vmem>>, vector<16xi32>,
      %max3A_211 = arith.maxsi %max3A_204, %get3A_210 : vector<16xi32>
      %mul3A_212 = arith.constant 16 : i32
      %mul3A_213 = arith.muli %scan3A_185, %mul3A_212 : i32
      %get3A_214 = arith.constant 4 : i32
      %get3A_215 = arith.index_cast %get3A_214 : i32 to index
      %get3A_216 = arith.index_cast %mul3A_213 : i32 to index
      %get3A_217 = tpu.vector_load %arg15[%get3A_215, %get3A_216] {strides = array<i32>} : memref<16x320xi32, #tpu.memory_space<vmem>>, vector<16xi32>,
      %max3A_218 = arith.maxsi %max3A_211, %get3A_217 : vector<16xi32>
      %mul3A_219 = arith.constant 16 : i32
      %mul3A_220 = arith.muli %scan3A_185, %mul3A_219 : i32
      %get3A_221 = arith.constant 5 : i32
      %get3A_222 = arith.index_cast %get3A_221 : i32 to index
      %get3A_223 = arith.index_cast %mul3A_220 : i32 to index
      %get3A_224 = tpu.vector_load %arg15[%get3A_222, %get3A_223] {strides = array<i32>} : memref<16x320xi32, #tpu.memory_space<vmem>>, vector<16xi32>,
      %max3A_225 = arith.maxsi %max3A_218, %get3A_224 : vector<16xi32>
      %mul3A_226 = arith.constant 16 : i32
      %mul3A_227 = arith.muli %scan3A_185, %mul3A_226 : i32
      %get3A_228 = arith.constant 6 : i32
      %get3A_229 = arith.index_cast %get3A_228 : i32 to index
      %get3A_230 = arith.index_cast %mul3A_227 : i32 to index
      %get3A_231 = tpu.vector_load %arg15[%get3A_229, %get3A_230] {strides = array<i32>} : memref<16x320xi32, #tpu.memory_space<vmem>>, vector<16xi32>,
      %max3A_232 = arith.maxsi %max3A_225, %get3A_231 : vector<16xi32>
      %mul3A_233 = arith.constant 16 : i32
      %mul3A_234 = arith.muli %scan3A_185, %mul3A_233 : i32
      %get3A_235 = arith.constant 7 : i32
      %get3A_236 = arith.index_cast %get3A_235 : i32 to index
      %get3A_237 = arith.index_cast %mul3A_234 : i32 to index
      %get3A_238 = tpu.vector_load %arg15[%get3A_236, %get3A_237] {strides = array<i32>} : memref<16x320xi32, #tpu.memory_space<vmem>>, vector<16xi32>,
      %max3A_239 = arith.maxsi %max3A_232, %get3A_238 : vector<16xi32>
      %mul3A_240 = arith.constant 16 : i32
      %mul3A_241 = arith.muli %scan3A_185, %mul3A_240 : i32
      %get3A_242 = arith.constant 8 : i32
      %get3A_243 = arith.index_cast %get3A_242 : i32 to index
      %get3A_244 = arith.index_cast %mul3A_241 : i32 to index
      %get3A_245 = tpu.vector_load %arg15[%get3A_243, %get3A_244] {strides = array<i32>} : memref<16x320xi32, #tpu.memory_space<vmem>>, vector<16xi32>,
      %max3A_246 = arith.maxsi %max3A_239, %get3A_245 : vector<16xi32>
      %mul3A_247 = arith.constant 16 : i32
      %mul3A_248 = arith.muli %scan3A_185, %mul3A_247 : i32
      %get3A_249 = arith.constant 9 : i32
      %get3A_250 = arith.index_cast %get3A_249 : i32 to index
      %get3A_251 = arith.index_cast %mul3A_248 : i32 to index
      %get3A_252 = tpu.vector_load %arg15[%get3A_250, %get3A_251] {strides = array<i32>} : memref<16x320xi32, #tpu.memory_space<vmem>>, vector<16xi32>,
      %max3A_253 = arith.maxsi %max3A_246, %get3A_252 : vector<16xi32>
      %mul3A_254 = arith.constant 16 : i32
      %mul3A_255 = arith.muli %scan3A_185, %mul3A_254 : i32
      %get3A_256 = arith.constant 10 : i32
      %get3A_257 = arith.index_cast %get3A_256 : i32 to index
      %get3A_258 = arith.index_cast %mul3A_255 : i32 to index
      %get3A_259 = tpu.vector_load %arg15[%get3A_257, %get3A_258] {strides = array<i32>} : memref<16x320xi32, #tpu.memory_space<vmem>>, vector<16xi32>,
      %max3A_260 = arith.maxsi %max3A_253, %get3A_259 : vector<16xi32>
      %mul3A_261 = arith.constant 16 : i32
      %mul3A_262 = arith.muli %scan3A_185, %mul3A_261 : i32
      %get3A_263 = arith.constant 11 : i32
      %get3A_264 = arith.index_cast %get3A_263 : i32 to index
      %get3A_265 = arith.index_cast %mul3A_262 : i32 to index
      %get3A_266 = tpu.vector_load %arg15[%get3A_264, %get3A_265] {strides = array<i32>} : memref<16x320xi32, #tpu.memory_space<vmem>>, vector<16xi32>,
      %max3A_267 = arith.maxsi %max3A_260, %get3A_266 : vector<16xi32>
      %mul3A_268 = arith.constant 16 : i32
      %mul3A_269 = arith.muli %scan3A_185, %mul3A_268 : i32
      %get3A_270 = arith.constant 12 : i32
      %get3A_271 = arith.index_cast %get3A_270 : i32 to index
      %get3A_272 = arith.index_cast %mul3A_269 : i32 to index
      %get3A_273 = tpu.vector_load %arg15[%get3A_271, %get3A_272] {strides = array<i32>} : memref<16x320xi32, #tpu.memory_space<vmem>>, vector<16xi32>,
      %max3A_274 = arith.maxsi %max3A_267, %get3A_273 : vector<16xi32>
      %mul3A_275 = arith.constant 16 : i32
      %mul3A_276 = arith.muli %scan3A_185, %mul3A_275 : i32
      %get3A_277 = arith.constant 13 : i32
      %get3A_278 = arith.index_cast %get3A_277 : i32 to index
      %get3A_279 = arith.index_cast %mul3A_276 : i32 to index
      %get3A_280 = tpu.vector_load %arg15[%get3A_278, %get3A_279] {strides = array<i32>} : memref<16x320xi32, #tpu.memory_space<vmem>>, vector<16xi32>,
      %max3A_281 = arith.maxsi %max3A_274, %get3A_280 : vector<16xi32>
      %mul3A_282 = arith.constant 16 : i32
      %mul3A_283 = arith.muli %scan3A_185, %mul3A_282 : i32
      %get3A_284 = arith.constant 14 : i32
      %get3A_285 = arith.index_cast %get3A_284 : i32 to index
      %get3A_286 = arith.index_cast %mul3A_283 : i32 to index
      %get3A_287 = tpu.vector_load %arg15[%get3A_285, %get3A_286] {strides = array<i32>} : memref<16x320xi32, #tpu.memory_space<vmem>>, vector<16xi32>,
      %max3A_288 = arith.maxsi %max3A_281, %get3A_287 : vector<16xi32>
      %mul3A_289 = arith.constant 16 : i32
      %mul3A_290 = arith.muli %scan3A_185, %mul3A_289 : i32
      %get3A_291 = arith.constant 15 : i32
      %get3A_292 = arith.index_cast %get3A_291 : i32 to index
      %get3A_293 = arith.index_cast %mul3A_290 : i32 to index
      %get3A_294 = tpu.vector_load %arg15[%get3A_292, %get3A_293] {strides = array<i32>} : memref<16x320xi32, #tpu.memory_space<vmem>>, vector<16xi32>,
      %max3A_295 = arith.maxsi %max3A_288, %get3A_294 : vector<16xi32>
      %ge3A = arith.constant 0 : i32
      %ge3A_296 = vector.broadcast %ge3A : i32 to vector<16xi32>
      %ge3A_297 = arith.cmpi sge, %max3A_295, %ge3A_296 : vector<16xi32>
      %max3A_298 = arith.constant 0 : i32
      %max3A_299 = vector.broadcast %max3A_298 : i32 to vector<16xi32>
      %max3A_300 = arith.maxsi %max3A_295, %max3A_299 : vector<16xi32>
      %mul3A_301 = arith.constant 16 : i32
      %mul3A_302 = arith.muli %scan3A_185, %mul3A_301 : i32
      %swap3A = arith.index_cast %mul3A_302 : i32 to index
      %swap3A_303 = tpu.vector_load %arg16[%swap3A] {strides = array<i32>} : memref<320xi32, #tpu.memory_space<vmem>>, vector<16xi32>,
      tpu.vector_store %arg16[%swap3A], %max3A_300 {strides = array<i32>} : memref<320xi32, #tpu.memory_space<vmem>>, vector<16xi32>,
      %gather3A = tpu.vector_load_idx %arg13[%max3A_300] : memref<20000xf32, #tpu.memory_space<vmem>>[vector<16xi32>], vector<16xf32>,
      %mul3A_304 = arith.constant 16 : i32
      %mul3A_305 = arith.muli %scan3A_185, %mul3A_304 : i32
      %swap3A_306 = arith.index_cast %mul3A_305 : i32 to index
      %swap3A_307 = tpu.vector_load %arg17[%swap3A_306] {strides = array<i32>} : memref<320xf32, #tpu.memory_space<vmem>>, vector<16xf32>,
      tpu.vector_store %arg17[%swap3A_306], %gather3A {strides = array<i32>} : memref<320xf32, #tpu.memory_space<vmem>>, vector<16xf32>,
      %jit3A = arith.constant 1.000000e+00 : f32
      %jit3A_308 = arith.constant 0.000000e+00 : f32
      %broadcast_in_dim3A = vector.broadcast %jit3A : f32 to vector<16xf32>
      %broadcast_in_dim3A_309 = vector.broadcast %jit3A_308 : f32 to vector<16xf32>
      %select_n3A = arith.select %ge3A_297, %broadcast_in_dim3A, %broadcast_in_dim3A_309 : vector<16xi1>, vector<16xf32>
      %mul3A_310 = arith.constant 16 : i32
      %mul3A_311 = arith.muli %scan3A_185, %mul3A_310 : i32
      %swap3A_312 = arith.index_cast %mul3A_311 : i32 to index
      %swap3A_313 = tpu.vector_load %arg18[%swap3A_312] {strides = array<i32>} : memref<320xf32, #tpu.memory_space<vmem>>, vector<16xf32>,
      tpu.vector_store %arg18[%swap3A_312], %select_n3A {strides = array<i32>} : memref<320xf32, #tpu.memory_space<vmem>>, vector<16xf32>,
      %scan3A_314 = arith.constant 0 : i32
      scf.yield %scan3A_314 : i32
    }
    %scan3A_120 = arith.constant 20 : i32
    "tpu.trace_stop"() : () -> ()
    "tpu.trace_start"() <{level = 10 : i32, message = "p_gather"}> : () -> ()
    %dma_start3A_121 = arith.constant 0 : i32
    %dma_start3A_122 = arith.constant 0 : i32
    %dma_start3A_123 = tpu.memref_slice %arg19[%dma_start3A_121, %dma_start3A_122] : memref<320x64xbf16, #tpu.memory_space<vmem>> -> memref<80x64xbf16, #tpu.memory_space<vmem>>
    %dma_start3A_124 = arith.constant 0 : i32
    %dma_start3A_125 = tpu.memref_slice %arg16[%dma_start3A_124] : memref<320xi32, #tpu.memory_space<vmem>> -> memref<80xi32, #tpu.memory_space<vmem>>
    %dma_start3A_126 = arith.constant 0 : i32
    %dma_start3A_127 = arith.constant 0 : i32
    %dma_start3A_128 = tpu.memref_slice %arg20[%dma_start3A_126, %dma_start3A_127] : memref<20000x64xbf16, #tpu.memory_space<vmem_shared>> -> memref<20000x64xbf16, #tpu.memory_space<vmem_shared>>
    tpu.enqueue_indirect_dma source(%dma_start3A_128 : memref<20000x64xbf16, #tpu.memory_space<vmem_shared>>) target(%dma_start3A_123 : memref<80x64xbf16, #tpu.memory_space<vmem>>) offsets(%dma_start3A_125 : memref<80xi32, #tpu.memory_space<vmem>>) semaphore(%arg22 : memref<!tpu.dma_semaphore, #tpu.memory_space<semaphore_mem>>)
    %dma_start3A_129 = arith.constant 80 : i32
    %dma_start3A_130 = arith.constant 0 : i32
    %dma_start3A_131 = tpu.memref_slice %arg19[%dma_start3A_129, %dma_start3A_130] : memref<320x64xbf16, #tpu.memory_space<vmem>> -> memref<80x64xbf16, #tpu.memory_space<vmem>>
    %dma_start3A_132 = arith.constant 80 : i32
    %dma_start3A_133 = tpu.memref_slice %arg16[%dma_start3A_132] : memref<320xi32, #tpu.memory_space<vmem>> -> memref<80xi32, #tpu.memory_space<vmem>>
    %dma_start3A_134 = arith.constant 0 : i32
    %dma_start3A_135 = arith.constant 0 : i32
    %dma_start3A_136 = tpu.memref_slice %arg20[%dma_start3A_134, %dma_start3A_135] : memref<20000x64xbf16, #tpu.memory_space<vmem_shared>> -> memref<20000x64xbf16, #tpu.memory_space<vmem_shared>>
    tpu.enqueue_indirect_dma source(%dma_start3A_136 : memref<20000x64xbf16, #tpu.memory_space<vmem_shared>>) target(%dma_start3A_131 : memref<80x64xbf16, #tpu.memory_space<vmem>>) offsets(%dma_start3A_133 : memref<80xi32, #tpu.memory_space<vmem>>) semaphore(%arg22 : memref<!tpu.dma_semaphore, #tpu.memory_space<semaphore_mem>>)
    %dma_start3A_137 = arith.constant 160 : i32
    %dma_start3A_138 = arith.constant 0 : i32
    %dma_start3A_139 = tpu.memref_slice %arg19[%dma_start3A_137, %dma_start3A_138] : memref<320x64xbf16, #tpu.memory_space<vmem>> -> memref<80x64xbf16, #tpu.memory_space<vmem>>
    %dma_start3A_140 = arith.constant 160 : i32
    %dma_start3A_141 = tpu.memref_slice %arg16[%dma_start3A_140] : memref<320xi32, #tpu.memory_space<vmem>> -> memref<80xi32, #tpu.memory_space<vmem>>
    %dma_start3A_142 = arith.constant 0 : i32
    %dma_start3A_143 = arith.constant 0 : i32
    %dma_start3A_144 = tpu.memref_slice %arg20[%dma_start3A_142, %dma_start3A_143] : memref<20000x64xbf16, #tpu.memory_space<vmem_shared>> -> memref<20000x64xbf16, #tpu.memory_space<vmem_shared>>
    tpu.enqueue_indirect_dma source(%dma_start3A_144 : memref<20000x64xbf16, #tpu.memory_space<vmem_shared>>) target(%dma_start3A_139 : memref<80x64xbf16, #tpu.memory_space<vmem>>) offsets(%dma_start3A_141 : memref<80xi32, #tpu.memory_space<vmem>>) semaphore(%arg22 : memref<!tpu.dma_semaphore, #tpu.memory_space<semaphore_mem>>)
    %dma_start3A_145 = arith.constant 240 : i32
    %dma_start3A_146 = arith.constant 0 : i32
    %dma_start3A_147 = tpu.memref_slice %arg19[%dma_start3A_145, %dma_start3A_146] : memref<320x64xbf16, #tpu.memory_space<vmem>> -> memref<80x64xbf16, #tpu.memory_space<vmem>>
    %dma_start3A_148 = arith.constant 240 : i32
    %dma_start3A_149 = tpu.memref_slice %arg16[%dma_start3A_148] : memref<320xi32, #tpu.memory_space<vmem>> -> memref<80xi32, #tpu.memory_space<vmem>>
    %dma_start3A_150 = arith.constant 0 : i32
    %dma_start3A_151 = arith.constant 0 : i32
    %dma_start3A_152 = tpu.memref_slice %arg20[%dma_start3A_150, %dma_start3A_151] : memref<20000x64xbf16, #tpu.memory_space<vmem_shared>> -> memref<20000x64xbf16, #tpu.memory_space<vmem_shared>>
    tpu.enqueue_indirect_dma source(%dma_start3A_152 : memref<20000x64xbf16, #tpu.memory_space<vmem_shared>>) target(%dma_start3A_147 : memref<80x64xbf16, #tpu.memory_space<vmem>>) offsets(%dma_start3A_149 : memref<80xi32, #tpu.memory_space<vmem>>) semaphore(%arg22 : memref<!tpu.dma_semaphore, #tpu.memory_space<semaphore_mem>>)
    %dma_wait3A_153 = arith.constant 0 : i32
    %dma_wait3A_154 = arith.constant 0 : i32
    %dma_wait3A_155 = tpu.memref_slice %arg19[%dma_wait3A_153, %dma_wait3A_154] : memref<320x64xbf16, #tpu.memory_space<vmem>> -> memref<80x64xbf16, #tpu.memory_space<vmem>>
    %dma_wait3A_156 = arith.constant 0 : i32
    %dma_wait3A_157 = tpu.memref_slice %arg16[%dma_wait3A_156] : memref<320xi32, #tpu.memory_space<vmem>> -> memref<80xi32, #tpu.memory_space<vmem>>
    %dma_wait3A_158 = arith.constant 0 : i32
    %dma_wait3A_159 = arith.constant 0 : i32
    %dma_wait3A_160 = tpu.memref_slice %arg20[%dma_wait3A_158, %dma_wait3A_159] : memref<20000x64xbf16, #tpu.memory_space<vmem_shared>> -> memref<20000x64xbf16, #tpu.memory_space<vmem_shared>>
    tpu.wait_indirect_dma semaphore(%arg22 : memref<!tpu.dma_semaphore, #tpu.memory_space<semaphore_mem>>) src(%dma_wait3A_160 : memref<20000x64xbf16, #tpu.memory_space<vmem_shared>>) dst(%dma_wait3A_155 : memref<80x64xbf16, #tpu.memory_space<vmem>>)
    %dma_wait3A_161 = arith.constant 80 : i32
    %dma_wait3A_162 = arith.constant 0 : i32
    %dma_wait3A_163 = tpu.memref_slice %arg19[%dma_wait3A_161, %dma_wait3A_162] : memref<320x64xbf16, #tpu.memory_space<vmem>> -> memref<80x64xbf16, #tpu.memory_space<vmem>>
    %dma_wait3A_164 = arith.constant 80 : i32
    %dma_wait3A_165 = tpu.memref_slice %arg16[%dma_wait3A_164] : memref<320xi32, #tpu.memory_space<vmem>> -> memref<80xi32, #tpu.memory_space<vmem>>
    %dma_wait3A_166 = arith.constant 0 : i32
    %dma_wait3A_167 = arith.constant 0 : i32
    %dma_wait3A_168 = tpu.memref_slice %arg20[%dma_wait3A_166, %dma_wait3A_167] : memref<20000x64xbf16, #tpu.memory_space<vmem_shared>> -> memref<20000x64xbf16, #tpu.memory_space<vmem_shared>>
    tpu.wait_indirect_dma semaphore(%arg22 : memref<!tpu.dma_semaphore, #tpu.memory_space<semaphore_mem>>) src(%dma_wait3A_168 : memref<20000x64xbf16, #tpu.memory_space<vmem_shared>>) dst(%dma_wait3A_163 : memref<80x64xbf16, #tpu.memory_space<vmem>>)
    %dma_wait3A_169 = arith.constant 160 : i32
    %dma_wait3A_170 = arith.constant 0 : i32
    %dma_wait3A_171 = tpu.memref_slice %arg19[%dma_wait3A_169, %dma_wait3A_170] : memref<320x64xbf16, #tpu.memory_space<vmem>> -> memref<80x64xbf16, #tpu.memory_space<vmem>>
    %dma_wait3A_172 = arith.constant 160 : i32
    %dma_wait3A_173 = tpu.memref_slice %arg16[%dma_wait3A_172] : memref<320xi32, #tpu.memory_space<vmem>> -> memref<80xi32, #tpu.memory_space<vmem>>
    %dma_wait3A_174 = arith.constant 0 : i32
    %dma_wait3A_175 = arith.constant 0 : i32
    %dma_wait3A_176 = tpu.memref_slice %arg20[%dma_wait3A_174, %dma_wait3A_175] : memref<20000x64xbf16, #tpu.memory_space<vmem_shared>> -> memref<20000x64xbf16, #tpu.memory_space<vmem_shared>>
    tpu.wait_indirect_dma semaphore(%arg22 : memref<!tpu.dma_semaphore, #tpu.memory_space<semaphore_mem>>) src(%dma_wait3A_176 : memref<20000x64xbf16, #tpu.memory_space<vmem_shared>>) dst(%dma_wait3A_171 : memref<80x64xbf16, #tpu.memory_space<vmem>>)
    %dma_wait3A_177 = arith.constant 240 : i32
    %dma_wait3A_178 = arith.constant 0 : i32
    %dma_wait3A_179 = tpu.memref_slice %arg19[%dma_wait3A_177, %dma_wait3A_178] : memref<320x64xbf16, #tpu.memory_space<vmem>> -> memref<80x64xbf16, #tpu.memory_space<vmem>>
    %dma_wait3A_180 = arith.constant 240 : i32
    %dma_wait3A_181 = tpu.memref_slice %arg16[%dma_wait3A_180] : memref<320xi32, #tpu.memory_space<vmem>> -> memref<80xi32, #tpu.memory_space<vmem>>
    %dma_wait3A_182 = arith.constant 0 : i32
    %dma_wait3A_183 = arith.constant 0 : i32
    %dma_wait3A_184 = tpu.memref_slice %arg20[%dma_wait3A_182, %dma_wait3A_183] : memref<20000x64xbf16, #tpu.memory_space<vmem_shared>> -> memref<20000x64xbf16, #tpu.memory_space<vmem_shared>>
    tpu.wait_indirect_dma semaphore(%arg22 : memref<!tpu.dma_semaphore, #tpu.memory_space<semaphore_mem>>) src(%dma_wait3A_184 : memref<20000x64xbf16, #tpu.memory_space<vmem_shared>>) dst(%dma_wait3A_179 : memref<80x64xbf16, #tpu.memory_space<vmem>>)
    "tpu.trace_stop"() : () -> ()
    "tpu.trace_start"() <{level = 10 : i32, message = "p_wb"}> : () -> ()
    "tpu.region"() ({
      %run_scoped3A = tpu.sem_alloc : memref<!tpu.dma_semaphore, #tpu.memory_space<semaphore_mem>>
      %dma_start3A_185 = arith.constant 0 : i32
      %dma_start3A_186 = tpu.memref_slice %arg7[%add3A_5, %dma_start3A_185] : memref<10240x64xbf16, #tpu.memory_space<hbm>> -> memref<320x64xbf16, #tpu.memory_space<hbm>>
      %dma_start3A_187 = arith.constant 0 : i32
      %dma_start3A_188 = tpu.memref_slice %arg7[%add3A_5, %dma_start3A_187] : memref<10240x64xbf16, #tpu.memory_space<hbm>> -> memref<320x64xbf16, #tpu.memory_space<hbm>>
      tpu.enqueue_dma source(%arg19 : memref<320x64xbf16, #tpu.memory_space<vmem>>) target(%dma_start3A_188 : memref<320x64xbf16, #tpu.memory_space<hbm>>) target_semaphore(%run_scoped3A : memref<!tpu.dma_semaphore, #tpu.memory_space<semaphore_mem>>)
      %dma_wait3A_189 = arith.constant 0 : i32
      %dma_wait3A_190 = tpu.memref_slice %arg7[%add3A_5, %dma_wait3A_189] : memref<10240x64xbf16, #tpu.memory_space<hbm>> -> memref<320x64xbf16, #tpu.memory_space<hbm>>
      %dma_wait3A_191 = arith.constant 0 : i32
      %dma_wait3A_192 = tpu.memref_slice %arg7[%add3A_5, %dma_wait3A_191] : memref<10240x64xbf16, #tpu.memory_space<hbm>> -> memref<320x64xbf16, #tpu.memory_space<hbm>>
      tpu.wait_dma2 semaphore(%run_scoped3A : memref<!tpu.dma_semaphore, #tpu.memory_space<semaphore_mem>>) src(%arg19 : memref<320x64xbf16, #tpu.memory_space<vmem>>) dst(%dma_wait3A_192 : memref<320x64xbf16, #tpu.memory_space<hbm>>)
      tpu.yield
    }) : () -> ()
    "tpu.region"() ({
      %run_scoped3A = tpu.sem_alloc : memref<!tpu.dma_semaphore, #tpu.memory_space<semaphore_mem>>
      %dma_start3A_185 = tpu.memref_slice %arg9[%add3A_5] : memref<10240xf32, #tpu.memory_space<hbm>> -> memref<320xf32, #tpu.memory_space<hbm>>
      %dma_start3A_186 = tpu.memref_slice %arg9[%add3A_5] : memref<10240xf32, #tpu.memory_space<hbm>> -> memref<320xf32, #tpu.memory_space<hbm>>
      tpu.enqueue_dma source(%arg17 : memref<320xf32, #tpu.memory_space<vmem>>) target(%dma_start3A_186 : memref<320xf32, #tpu.memory_space<hbm>>) target_semaphore(%run_scoped3A : memref<!tpu.dma_semaphore, #tpu.memory_space<semaphore_mem>>)
      %dma_wait3A_187 = tpu.memref_slice %arg9[%add3A_5] : memref<10240xf32, #tpu.memory_space<hbm>> -> memref<320xf32, #tpu.memory_space<hbm>>
      %dma_wait3A_188 = tpu.memref_slice %arg9[%add3A_5] : memref<10240xf32, #tpu.memory_space<hbm>> -> memref<320xf32, #tpu.memory_space<hbm>>
      tpu.wait_dma2 semaphore(%run_scoped3A : memref<!tpu.dma_semaphore, #tpu.memory_space<semaphore_mem>>) src(%arg17 : memref<320xf32, #tpu.memory_space<vmem>>) dst(%dma_wait3A_188 : memref<320xf32, #tpu.memory_space<hbm>>)
      tpu.yield
    }) : () -> ()
    "tpu.region"() ({
      %run_scoped3A = tpu.sem_alloc : memref<!tpu.dma_semaphore, #tpu.memory_space<semaphore_mem>>
      %dma_start3A_185 = tpu.memref_slice %arg11[%add3A_5] : memref<10240xf32, #tpu.memory_space<hbm>> -> memref<320xf32, #tpu.memory_space<hbm>>
      %dma_start3A_186 = tpu.memref_slice %arg11[%add3A_5] : memref<10240xf32, #tpu.memory_space<hbm>> -> memref<320xf32, #tpu.memory_space<hbm>>
      tpu.enqueue_dma source(%arg18 : memref<320xf32, #tpu.memory_space<vmem>>) target(%dma_start3A_186 : memref<320xf32, #tpu.memory_space<hbm>>) target_semaphore(%run_scoped3A : memref<!tpu.dma_semaphore, #tpu.memory_space<semaphore_mem>>)
      %dma_wait3A_187 = tpu.memref_slice %arg11[%add3A_5] : memref<10240xf32, #tpu.memory_space<hbm>> -> memref<320xf32, #tpu.memory_space<hbm>>
      %dma_wait3A_188 = tpu.memref_slice %arg11[%add3A_5] : memref<10240xf32, #tpu.memory_space<hbm>> -> memref<320xf32, #tpu.memory_space<hbm>>
      tpu.wait_dma2 semaphore(%run_scoped3A : memref<!tpu.dma_semaphore, #tpu.memory_space<semaphore_mem>>) src(%arg18 : memref<320xf32, #tpu.memory_space<vmem>>) dst(%dma_wait3A_188 : memref<320xf32, #tpu.memory_space<hbm>>)
      tpu.yield
    }) : () -> ()
    "tpu.trace_stop"() : () -> ()
    return
  }
}

module attributes {stable_mosaic.version = 14 : i64} {
  func.func @_gru_kernel(%arg0: i32, %arg1: memref<1024x64xbf16, #tpu.memory_space<vmem>>, %arg2: memref<1024x1xf32, #tpu.memory_space<vmem>>, %arg3: memref<1024x1xf32, #tpu.memory_space<vmem>>, %arg4: memref<1024x64xbf16, #tpu.memory_space<vmem>>, %arg5: memref<1024x1xf32, #tpu.memory_space<vmem>>, %arg6: memref<1024x1xf32, #tpu.memory_space<vmem>>, %arg7: memref<128x384xf32, #tpu.memory_space<vmem>>, %arg8: memref<128x384xf32, #tpu.memory_space<vmem>>, %arg9: memref<1x384xf32, #tpu.memory_space<vmem>>, %arg10: memref<1x384xf32, #tpu.memory_space<vmem>>, %arg11: memref<1024x128xf32, #tpu.memory_space<vmem>>) attributes {dimension_semantics = [#tpu.dimension_semantics<arbitrary>], iteration_bounds = array<i64: 10>, scalar_prefetch = 0 : i64, scratch_operands = 0 : i64, tpu.core_type = #tpu.core_type<tc>, window_params = [{transform_indices = @transform_0, window_bounds = array<i64: 1024, 64>}, {transform_indices = @transform_1, window_bounds = array<i64: 1024, 1>}, {transform_indices = @transform_2, window_bounds = array<i64: 1024, 1>}, {transform_indices = @transform_3, window_bounds = array<i64: 1024, 64>}, {transform_indices = @transform_4, window_bounds = array<i64: 1024, 1>}, {transform_indices = @transform_5, window_bounds = array<i64: 1024, 1>}, {pipeline_mode = #tpu.pipeline_mode<synchronous>, transform_indices = @transform_6, window_bounds = array<i64: 128, 384>}, {pipeline_mode = #tpu.pipeline_mode<synchronous>, transform_indices = @transform_7, window_bounds = array<i64: 128, 384>}, {pipeline_mode = #tpu.pipeline_mode<synchronous>, transform_indices = @transform_8, window_bounds = array<i64: 1, 384>}, {pipeline_mode = #tpu.pipeline_mode<synchronous>, transform_indices = @transform_9, window_bounds = array<i64: 1, 384>}, {transform_indices = @transform_10, window_bounds = array<i64: 1024, 128>}]} {
    %iota3A = tpu.iota {dimensions = array<i32: 1>} : vector<1x64xi32>
    %convert_element_type3A = arith.sitofp %iota3A : vector<1x64xi32> to vector<1x64xf32>
    %mul3A = arith.constant 0.142857149 : f32
    %mul3A_0 = vector.broadcast %mul3A : f32 to vector<1x64xf32>
    %mul3A_1 = arith.mulf %convert_element_type3A, %mul3A_0 : vector<1x64xf32>
    %mul3A_2 = arith.constant -2.30258512 : f32
    %mul3A_3 = vector.broadcast %mul3A_2 : f32 to vector<1x64xf32>
    %mul3A_4 = arith.mulf %mul3A_3, %mul3A_1 : vector<1x64xf32>
    %exp3A = math.exp %mul3A_4 : vector<1x64xf32>
    %get3A = arith.constant 0 : index
    %get3A_5 = arith.constant 0 : index
    %get3A_6 = vector.load %arg9[%get3A, %get3A_5] : memref<1x384xf32, #tpu.memory_space<vmem>>, vector<1x384xf32>
    %get3A_7 = arith.constant 0 : index
    %get3A_8 = arith.constant 0 : index
    %get3A_9 = vector.load %arg10[%get3A_7, %get3A_8] : memref<1x384xf32, #tpu.memory_space<vmem>>, vector<1x384xf32>
    %get3A_10 = arith.constant 0 : index
    %get3A_11 = arith.constant 0 : index
    %get3A_12 = vector.load %arg2[%get3A_10, %get3A_11] : memref<1024x1xf32, #tpu.memory_space<vmem>>, vector<1024x1xf32>
    %mul3A_13 = vector.broadcast %get3A_12 : vector<1024x1xf32> to vector<1024x64xf32>
    %mul3A_14 = vector.broadcast %exp3A : vector<1x64xf32> to vector<1024x64xf32>
    %mul3A_15 = arith.mulf %mul3A_13, %mul3A_14 : vector<1024x64xf32>
    %cos3A = math.cos %mul3A_15 : vector<1024x64xf32>
    %get3A_16 = arith.constant 0 : index
    %get3A_17 = arith.constant 0 : index
    %get3A_18 = vector.load %arg1[%get3A_16, %get3A_17] : memref<1024x64xbf16, #tpu.memory_space<vmem>>, vector<1024x64xbf16>
    %convert_element_type3A_19 = arith.extf %get3A_18 : vector<1024x64xbf16> to vector<1024x64xf32>
    %concatenate3A = tpu.concatenate %convert_element_type3A_19, %cos3A in 1 : vector<1024x64xf32>, vector<1024x64xf32> -> vector<1024x128xf32>
    %get3A_20 = arith.constant 0 : index
    %get3A_21 = arith.constant 0 : index
    %get3A_22 = vector.load %arg7[%get3A_20, %get3A_21] : memref<128x384xf32, #tpu.memory_space<vmem>>, vector<128x384xf32>
    %dot_general3A = arith.constant dense<0.000000e+00> : vector<1024x384xf32>
    %dot_general3A_23 = tpu.matmul %concatenate3A, %get3A_22, %dot_general3A {dimension_numbers = #tpu.dot_dimension_numbers<[1], [0], [0], [1], [0, 0, 1, 1], [], []>, transpose_lhs_hint = false} : vector<1024x128xf32>, vector<128x384xf32>, vector<1024x384xf32> -> vector<1024x384xf32>
    %add3A = vector.broadcast %get3A_6 : vector<1x384xf32> to vector<1024x384xf32>
    %add3A_24 = arith.addf %dot_general3A_23, %add3A : vector<1024x384xf32>
    %slice3A = vector.extract_strided_slice %add3A_24 {offsets = [0, 0], sizes = [1024, 128], strides = [1, 1]} : vector<1024x384xf32> to vector<1024x128xf32>
    %slice3A_25 = vector.extract_strided_slice %get3A_9 {offsets = [0, 0], sizes = [1, 128], strides = [1, 1]} : vector<1x384xf32> to vector<1x128xf32>
    %add3A_26 = vector.broadcast %slice3A_25 : vector<1x128xf32> to vector<1024x128xf32>
    %add3A_27 = arith.addf %slice3A, %add3A_26 : vector<1024x128xf32>
    %neg3A = arith.constant 0.000000e+00 : f32
    %neg3A_28 = vector.broadcast %neg3A : f32 to vector<1024x128xf32>
    %neg3A_29 = arith.subf %neg3A_28, %add3A_27 : vector<1024x128xf32>
    %exp3A_30 = math.exp %neg3A_29 : vector<1024x128xf32>
    %add3A_31 = arith.constant 1.000000e+00 : f32
    %add3A_32 = vector.broadcast %add3A_31 : f32 to vector<1024x128xf32>
    %add3A_33 = arith.addf %add3A_32, %exp3A_30 : vector<1024x128xf32>
    %div3A = arith.constant 1.000000e+00 : f32
    %div3A_34 = vector.broadcast %div3A : f32 to vector<1024x128xf32>
    %div3A_35 = arith.divf %div3A_34, %add3A_33 : vector<1024x128xf32>
    %slice3A_36 = vector.extract_strided_slice %add3A_24 {offsets = [0, 128], sizes = [1024, 128], strides = [1, 1]} : vector<1024x384xf32> to vector<1024x128xf32>
    %slice3A_37 = vector.extract_strided_slice %get3A_9 {offsets = [0, 128], sizes = [1, 128], strides = [1, 1]} : vector<1x384xf32> to vector<1x128xf32>
    %add3A_38 = vector.broadcast %slice3A_37 : vector<1x128xf32> to vector<1024x128xf32>
    %add3A_39 = arith.addf %slice3A_36, %add3A_38 : vector<1024x128xf32>
    %neg3A_40 = arith.constant 0.000000e+00 : f32
    %neg3A_41 = vector.broadcast %neg3A_40 : f32 to vector<1024x128xf32>
    %neg3A_42 = arith.subf %neg3A_41, %add3A_39 : vector<1024x128xf32>
    %exp3A_43 = math.exp %neg3A_42 : vector<1024x128xf32>
    %add3A_44 = arith.constant 1.000000e+00 : f32
    %add3A_45 = vector.broadcast %add3A_44 : f32 to vector<1024x128xf32>
    %add3A_46 = arith.addf %add3A_45, %exp3A_43 : vector<1024x128xf32>
    %div3A_47 = arith.constant 1.000000e+00 : f32
    %div3A_48 = vector.broadcast %div3A_47 : f32 to vector<1024x128xf32>
    %div3A_49 = arith.divf %div3A_48, %add3A_46 : vector<1024x128xf32>
    %slice3A_50 = vector.extract_strided_slice %add3A_24 {offsets = [0, 256], sizes = [1024, 128], strides = [1, 1]} : vector<1024x384xf32> to vector<1024x128xf32>
    %slice3A_51 = vector.extract_strided_slice %get3A_9 {offsets = [0, 256], sizes = [1, 128], strides = [1, 1]} : vector<1x384xf32> to vector<1x128xf32>
    %mul3A_52 = vector.broadcast %slice3A_51 : vector<1x128xf32> to vector<1024x128xf32>
    %mul3A_53 = arith.mulf %div3A_35, %mul3A_52 : vector<1024x128xf32>
    %add3A_54 = arith.addf %slice3A_50, %mul3A_53 : vector<1024x128xf32>
    %tanh3A = math.tanh %add3A_54 : vector<1024x128xf32>
    %sub3A = arith.constant 1.000000e+00 : f32
    %sub3A_55 = vector.broadcast %sub3A : f32 to vector<1024x128xf32>
    %sub3A_56 = arith.subf %sub3A_55, %div3A_49 : vector<1024x128xf32>
    %mul3A_57 = arith.mulf %sub3A_56, %tanh3A : vector<1024x128xf32>
    %get3A_58 = arith.constant 0 : index
    %get3A_59 = arith.constant 0 : index
    %get3A_60 = vector.load %arg3[%get3A_58, %get3A_59] : memref<1024x1xf32, #tpu.memory_space<vmem>>, vector<1024x1xf32>
    %mul3A_61 = vector.broadcast %get3A_60 : vector<1024x1xf32> to vector<1024x128xf32>
    %mul3A_62 = arith.mulf %mul3A_61, %mul3A_57 : vector<1024x128xf32>
    %get3A_63 = arith.constant 0 : index
    %get3A_64 = arith.constant 0 : index
    %get3A_65 = vector.load %arg8[%get3A_63, %get3A_64] : memref<128x384xf32, #tpu.memory_space<vmem>>, vector<128x384xf32>
    %dot_general3A_66 = arith.constant dense<0.000000e+00> : vector<1024x384xf32>
    %dot_general3A_67 = tpu.matmul %mul3A_62, %get3A_65, %dot_general3A_66 {dimension_numbers = #tpu.dot_dimension_numbers<[1], [0], [0], [1], [0, 0, 1, 1], [], []>, transpose_lhs_hint = false} : vector<1024x128xf32>, vector<128x384xf32>, vector<1024x384xf32> -> vector<1024x384xf32>
    %add3A_68 = vector.broadcast %get3A_9 : vector<1x384xf32> to vector<1024x384xf32>
    %add3A_69 = arith.addf %dot_general3A_67, %add3A_68 : vector<1024x384xf32>
    %get3A_70 = arith.constant 0 : index
    %get3A_71 = arith.constant 0 : index
    %get3A_72 = vector.load %arg5[%get3A_70, %get3A_71] : memref<1024x1xf32, #tpu.memory_space<vmem>>, vector<1024x1xf32>
    %mul3A_73 = vector.broadcast %get3A_72 : vector<1024x1xf32> to vector<1024x64xf32>
    %mul3A_74 = vector.broadcast %exp3A : vector<1x64xf32> to vector<1024x64xf32>
    %mul3A_75 = arith.mulf %mul3A_73, %mul3A_74 : vector<1024x64xf32>
    %cos3A_76 = math.cos %mul3A_75 : vector<1024x64xf32>
    %get3A_77 = arith.constant 0 : index
    %get3A_78 = arith.constant 0 : index
    %get3A_79 = vector.load %arg4[%get3A_77, %get3A_78] : memref<1024x64xbf16, #tpu.memory_space<vmem>>, vector<1024x64xbf16>
    %convert_element_type3A_80 = arith.extf %get3A_79 : vector<1024x64xbf16> to vector<1024x64xf32>
    %concatenate3A_81 = tpu.concatenate %convert_element_type3A_80, %cos3A_76 in 1 : vector<1024x64xf32>, vector<1024x64xf32> -> vector<1024x128xf32>
    %get3A_82 = arith.constant 0 : index
    %get3A_83 = arith.constant 0 : index
    %get3A_84 = vector.load %arg7[%get3A_82, %get3A_83] : memref<128x384xf32, #tpu.memory_space<vmem>>, vector<128x384xf32>
    %dot_general3A_85 = arith.constant dense<0.000000e+00> : vector<1024x384xf32>
    %dot_general3A_86 = tpu.matmul %concatenate3A_81, %get3A_84, %dot_general3A_85 {dimension_numbers = #tpu.dot_dimension_numbers<[1], [0], [0], [1], [0, 0, 1, 1], [], []>, transpose_lhs_hint = false} : vector<1024x128xf32>, vector<128x384xf32>, vector<1024x384xf32> -> vector<1024x384xf32>
    %add3A_87 = vector.broadcast %get3A_6 : vector<1x384xf32> to vector<1024x384xf32>
    %add3A_88 = arith.addf %dot_general3A_86, %add3A_87 : vector<1024x384xf32>
    %slice3A_89 = vector.extract_strided_slice %add3A_88 {offsets = [0, 0], sizes = [1024, 128], strides = [1, 1]} : vector<1024x384xf32> to vector<1024x128xf32>
    %slice3A_90 = vector.extract_strided_slice %add3A_69 {offsets = [0, 0], sizes = [1024, 128], strides = [1, 1]} : vector<1024x384xf32> to vector<1024x128xf32>
    %add3A_91 = arith.addf %slice3A_89, %slice3A_90 : vector<1024x128xf32>
    %neg3A_92 = arith.constant 0.000000e+00 : f32
    %neg3A_93 = vector.broadcast %neg3A_92 : f32 to vector<1024x128xf32>
    %neg3A_94 = arith.subf %neg3A_93, %add3A_91 : vector<1024x128xf32>
    %exp3A_95 = math.exp %neg3A_94 : vector<1024x128xf32>
    %add3A_96 = arith.constant 1.000000e+00 : f32
    %add3A_97 = vector.broadcast %add3A_96 : f32 to vector<1024x128xf32>
    %add3A_98 = arith.addf %add3A_97, %exp3A_95 : vector<1024x128xf32>
    %div3A_99 = arith.constant 1.000000e+00 : f32
    %div3A_100 = vector.broadcast %div3A_99 : f32 to vector<1024x128xf32>
    %div3A_101 = arith.divf %div3A_100, %add3A_98 : vector<1024x128xf32>
    %slice3A_102 = vector.extract_strided_slice %add3A_88 {offsets = [0, 128], sizes = [1024, 128], strides = [1, 1]} : vector<1024x384xf32> to vector<1024x128xf32>
    %slice3A_103 = vector.extract_strided_slice %add3A_69 {offsets = [0, 128], sizes = [1024, 128], strides = [1, 1]} : vector<1024x384xf32> to vector<1024x128xf32>
    %add3A_104 = arith.addf %slice3A_102, %slice3A_103 : vector<1024x128xf32>
    %neg3A_105 = arith.constant 0.000000e+00 : f32
    %neg3A_106 = vector.broadcast %neg3A_105 : f32 to vector<1024x128xf32>
    %neg3A_107 = arith.subf %neg3A_106, %add3A_104 : vector<1024x128xf32>
    %exp3A_108 = math.exp %neg3A_107 : vector<1024x128xf32>
    %add3A_109 = arith.constant 1.000000e+00 : f32
    %add3A_110 = vector.broadcast %add3A_109 : f32 to vector<1024x128xf32>
    %add3A_111 = arith.addf %add3A_110, %exp3A_108 : vector<1024x128xf32>
    %div3A_112 = arith.constant 1.000000e+00 : f32
    %div3A_113 = vector.broadcast %div3A_112 : f32 to vector<1024x128xf32>
    %div3A_114 = arith.divf %div3A_113, %add3A_111 : vector<1024x128xf32>
    %slice3A_115 = vector.extract_strided_slice %add3A_88 {offsets = [0, 256], sizes = [1024, 128], strides = [1, 1]} : vector<1024x384xf32> to vector<1024x128xf32>
    %slice3A_116 = vector.extract_strided_slice %add3A_69 {offsets = [0, 256], sizes = [1024, 128], strides = [1, 1]} : vector<1024x384xf32> to vector<1024x128xf32>
    %mul3A_117 = arith.mulf %div3A_101, %slice3A_116 : vector<1024x128xf32>
    %add3A_118 = arith.addf %slice3A_115, %mul3A_117 : vector<1024x128xf32>
    %tanh3A_119 = math.tanh %add3A_118 : vector<1024x128xf32>
    %sub3A_120 = arith.constant 1.000000e+00 : f32
    %sub3A_121 = vector.broadcast %sub3A_120 : f32 to vector<1024x128xf32>
    %sub3A_122 = arith.subf %sub3A_121, %div3A_114 : vector<1024x128xf32>
    %mul3A_123 = arith.mulf %sub3A_122, %tanh3A_119 : vector<1024x128xf32>
    %mul3A_124 = arith.mulf %div3A_114, %mul3A_62 : vector<1024x128xf32>
    %add3A_125 = arith.addf %mul3A_123, %mul3A_124 : vector<1024x128xf32>
    %get3A_126 = arith.constant 0 : index
    %get3A_127 = arith.constant 0 : index
    %get3A_128 = vector.load %arg6[%get3A_126, %get3A_127] : memref<1024x1xf32, #tpu.memory_space<vmem>>, vector<1024x1xf32>
    %mul3A_129 = vector.broadcast %get3A_128 : vector<1024x1xf32> to vector<1024x128xf32>
    %mul3A_130 = arith.mulf %mul3A_129, %add3A_125 : vector<1024x128xf32>
    %sub3A_131 = arith.constant 1.000000e+00 : f32
    %sub3A_132 = vector.broadcast %sub3A_131 : f32 to vector<1024x1xf32>
    %sub3A_133 = arith.subf %sub3A_132, %get3A_128 : vector<1024x1xf32>
    %mul3A_134 = vector.broadcast %sub3A_133 : vector<1024x1xf32> to vector<1024x128xf32>
    %mul3A_135 = arith.mulf %mul3A_134, %mul3A_62 : vector<1024x128xf32>
    %add3A_136 = arith.addf %mul3A_130, %mul3A_135 : vector<1024x128xf32>
    %swap3A = arith.constant 0 : index
    %swap3A_137 = arith.constant 0 : index
    %swap3A_138 = vector.load %arg11[%swap3A, %swap3A_137] : memref<1024x128xf32, #tpu.memory_space<vmem>>, vector<1024x128xf32>
    tpu.vector_store %arg11[%swap3A, %swap3A_137], %add3A_136 {strides = array<i32>} : memref<1024x128xf32, #tpu.memory_space<vmem>>, vector<1024x128xf32>,
    return
  }
  func.func @transform_0(%arg0: i32) -> (i32, i32) {
    %c0_i32 = arith.constant 0 : i32
    %c0_i32_0 = arith.constant 0 : i32
    return %arg0, %c0_i32 : i32, i32
  }
  func.func @transform_1(%arg0: i32) -> (i32, i32) {
    %c0_i32 = arith.constant 0 : i32
    %c0_i32_0 = arith.constant 0 : i32
    return %arg0, %c0_i32 : i32, i32
  }
  func.func @transform_2(%arg0: i32) -> (i32, i32) {
    %c0_i32 = arith.constant 0 : i32
    %c0_i32_0 = arith.constant 0 : i32
    return %arg0, %c0_i32 : i32, i32
  }
  func.func @transform_3(%arg0: i32) -> (i32, i32) {
    %c0_i32 = arith.constant 0 : i32
    %c0_i32_0 = arith.constant 0 : i32
    return %arg0, %c0_i32 : i32, i32
  }
  func.func @transform_4(%arg0: i32) -> (i32, i32) {
    %c0_i32 = arith.constant 0 : i32
    %c0_i32_0 = arith.constant 0 : i32
    return %arg0, %c0_i32 : i32, i32
  }
  func.func @transform_5(%arg0: i32) -> (i32, i32) {
    %c0_i32 = arith.constant 0 : i32
    %c0_i32_0 = arith.constant 0 : i32
    return %arg0, %c0_i32 : i32, i32
  }
  func.func @transform_6(%arg0: i32) -> (i32, i32) {
    %c0_i32 = arith.constant 0 : i32
    %c0_i32_0 = arith.constant 0 : i32
    %c0_i32_1 = arith.constant 0 : i32
    return %c0_i32, %c0_i32_0 : i32, i32
  }
  func.func @transform_7(%arg0: i32) -> (i32, i32) {
    %c0_i32 = arith.constant 0 : i32
    %c0_i32_0 = arith.constant 0 : i32
    %c0_i32_1 = arith.constant 0 : i32
    return %c0_i32, %c0_i32_0 : i32, i32
  }
  func.func @transform_8(%arg0: i32) -> (i32, i32) {
    %c0_i32 = arith.constant 0 : i32
    %c0_i32_0 = arith.constant 0 : i32
    %c0_i32_1 = arith.constant 0 : i32
    return %c0_i32, %c0_i32_0 : i32, i32
  }
  func.func @transform_9(%arg0: i32) -> (i32, i32) {
    %c0_i32 = arith.constant 0 : i32
    %c0_i32_0 = arith.constant 0 : i32
    %c0_i32_1 = arith.constant 0 : i32
    return %c0_i32, %c0_i32_0 : i32, i32
  }
  func.func @transform_10(%arg0: i32) -> (i32, i32) {
    %c0_i32 = arith.constant 0 : i32
    %c0_i32_0 = arith.constant 0 : i32
    return %arg0, %c0_i32 : i32, i32
  }
}

</mosaic_0001>

<sc_bundles>
// kernel: kernel.4.cloned.1.call-start
scs
__scs_entry_jumppad:
0x0: {  	(pc) =	sbr.rel $0x88, $3  }
0x1: {  	(tag) =	ssettag $0x0;
	lr =	simm.s32 $0x1  }
0x2: {  	[smem:$0x3F99] =	sst lr;
	_ =	strace $0xD0000000  }
0x3: {  	_ = 	snop  }
0x4: {  	_ = 	snop  }
0x5: {  	_ = 	snop  }
0x6: {  	_ = 	snop  }
0x7: {  	_ = 	snop  }
__scs_overlays_trampoline_lowered:
0x8: {  	[smem:$0x3FA8] =	sst s0  }
0x9: {  	[smem:$0x3FA9] =	sst s1  }
0xa: {  	[smem:$0x3FAA] =	sst s2  }
0xb: {  	[smem:$0x3FAB] =	sst s3  }
0xc: {  	[smem:$0x3FAC] =	sst s4  }
0xd: {  	[smem:$0x3FAD] =	sst s5  }
0xe: {  	[smem:$0x3FAE] =	sst s6  }
0xf: {  	[smem:$0x3FAF] =	sst s7  }
0x10: {  	[smem:$0x3FB0] =	sst s8  }
0x11: {  	[smem:$0x3FB1] =	sst s9;
	s0 =	simm.s32 @!p0 $0x0  }
0x12: {  	s1 =	sld [smem:$0x3F97];
	s0 =	simm.s32 @p0 $0x1  }
0x13: {  	[smem:$0x3FB2] =	sst s0;
	s0 =	simm.s32 @!p1 $0x0  }
0x14: {  	s2 =	sld [smem:$0x3F96];
	s0 =	simm.s32 @p1 $0x1  }
0x15: {  	[smem:$0x3FB3] =	sst s0;
	s0 =	simm.s32 @!p2 $0x0  }
0x16: {  	s3 =	sld [smem:$0x3FDB];
	s0 =	simm.s32 @p2 $0x1  }
0x17: {  	s4 =	simm.s32 $0x1BF5;
	[smem:$0x3FB5] =	sst s0  }
0x18: {  	s0 =	sld [smem:$0x3F98];
	_ =	swait.ge [sflag:s4], $0x0  }
0x19: {  	s7 =	sld [smem:$0x3F99]  }
0x1a: {  	s8 =	sadd.s32 $0xFFFFE003, lr  }
0x1b: {  	s9 =	sadd.s32 $0xFFFFFEF7, lr;
	s5 =	simm.s32 $0xFFFFFFFF;
	p2 =	slt.u32 s8, $0xFFFFF086  }
0x1c: {  	p1 =	slt.u32 s9, $0xF7A;
	s5 =	simm.s32 @!p2 $0x0  }
0x1d: {  	s5 =	simm.s32 @p1 $0x1;
	p0 =	seq.s32 s7, s2  }
0x1e: {  	s7 =	smul.u32 @!p0 $0xF7A, s2;
	p2 =	seq.s32 @!p0 s5, $0x0  }
0x1f: {  	s9 =	smul.u32 $0xF7A, s1;
	s8 =	simm.s32 @!p0 $0x1BF5;
	p2 =	por !p2, p0  }
0x20: {  	[sflag:s8] =	ssyncset.s32 @!p0 $0xFFFFF086;
	s6 =	sadd.s32 @!p0 s3, s7;
	s7 =	simm.s32 @!p0 $0x108  }
0x21: {  	s3 =	sadd.s32 s3, s9;
	s6 =	sadd.s32 @!p0 $0x88, s6;
	s7 =	simm.s32 @p2 $0x1082  }
0x22: {  	[simem:s7], [sflag:s8] =	dma.local @!p0 [hbm:s6], $0xF7A  }
0x23: {  	s9 =	sor.u32 $0xD0000000, s2;
	s6 =	simm.s32 $0x108;
	_ =	swait.ge @!p0 [sflag:s8], $0x0  }
0x24: {  	s3 =	sadd.s32 $0x88, s3;
	s6 =	simm.s32 @!p1 $0x1082;
	[sflag:s4] =	ssyncset.s32 $0xFFFFF086  }
0x25: {  	[simem:s6], [sflag:s4] =	dma.local [hbm:s3], $0xF7A  }
0x26: {  	[smem:$0x3F99] =	sst s1;
	(tag) =	ssettag s2;
	_ =	strace s9  }
0x27: {  	s1 =	sld [smem:$0x3FA9]  }
0x28: {  	s2 =	sld [smem:$0x3FAA]  }
0x29: {  	s4 =	sld [smem:$0x3FAC]  }
0x2a: {  	p0 =	seq.s32 s5, $0x0;
	s5 =	sld [smem:$0x3FAD]  }
0x2b: {  	s6 =	sld [smem:$0x3FAE]  }
0x2c: {  	s7 =	sld [smem:$0x3FAF]  }
0x2d: {  	s3 =	simm.s32 $0x108;
	s8 =	sld [smem:$0x3FB0]  }
0x2e: {  	s3 =	simm.s32 @!p0 $0x1082;
	s9 =	sld [smem:$0x3FB1]  }
0x2f: {  	lr =	sadd.s32 s0, s3;
	s0 =	sld [smem:$0x3FA8]  }
0x30: {  	s3 =	sld [smem:$0x3FAB]  }
0x31: {  	[smem:$0x3FB4] =	sst s10  }
0x32: {  	s10 =	sld [smem:$0x3FB2];
	_ =	sdelay $0x3  }
0x33: {  	p0 =	seq.s32 s10, $0x1;
	s10 =	sld [smem:$0x3FB4];
	_ =	sdelay $0x3  }
0x34: {  	[smem:$0x3FB4] =	sst s10  }
0x35: {  	s10 =	sld [smem:$0x3FB3];
	_ =	sdelay $0x3  }
0x36: {  	p1 =	seq.s32 s10, $0x1;
	s10 =	sld [smem:$0x3FB4];
	_ =	sdelay $0x3  }
0x37: {  	[smem:$0x3FB4] =	sst s10  }
0x38: {  	s10 =	sld [smem:$0x3FB5]  }
0x39: {  	_ = 	snop;
	(pc) =	sbr.ind lr, $3  }
0x3a: {  	_ = 	snop  }
0x3b: {  	_ = 	snop  }
0x3c: {  	p2 =	seq.s32 s10, $0x1;
	s10 =	sld [smem:$0x3FB4]  }
0x3d: {  	_ =	shalt  }
0x3e: {  	_ =	shalt  }
0x3f: {  	_ =	shalt  }
0x40: {  	_ =	shalt  }
0x41: {  	_ =	shalt  }
0x42: {  	_ =	shalt  }
0x43: {  	_ =	shalt  }
0x44: {  	_ =	shalt  }
0x45: {  	_ =	shalt  }
0x46: {  	_ =	shalt  }
0x47: {  	_ =	shalt  }
0x48: {  	_ =	shalt  }
0x49: {  	_ =	shalt  }
0x4a: {  	_ =	shalt  }
0x4b: {  	_ =	shalt  }
0x4c: {  	_ =	shalt  }
0x4d: {  	_ =	shalt  }
0x4e: {  	_ =	shalt  }
0x4f: {  	_ =	shalt  }
0x50: {  	_ =	shalt  }
0x51: {  	_ =	shalt  }
0x52: {  	_ =	shalt  }
0x53: {  	_ =	shalt  }
0x54: {  	_ =	shalt  }
0x55: {  	_ =	shalt  }
0x56: {  	_ =	shalt  }
0x57: {  	_ =	shalt  }
0x58: {  	_ =	shalt  }
0x59: {  	_ =	shalt  }
0x5a: {  	_ =	shalt  }
0x5b: {  	_ =	shalt  }
0x5c: {  	_ =	shalt  }
0x5d: {  	_ =	shalt  }
0x5e: {  	_ =	shalt  }
0x5f: {  	_ =	shalt  }
0x60: {  	_ =	shalt  }
0x61: {  	_ =	shalt  }
0x62: {  	_ =	shalt  }
0x63: {  	_ =	shalt  }
0x64: {  	_ =	shalt  }
0x65: {  	_ =	shalt  }
0x66: {  	_ =	shalt  }
0x67: {  	_ =	shalt  }
0x68: {  	_ =	shalt  }
0x69: {  	_ =	shalt  }
0x6a: {  	_ =	shalt  }
0x6b: {  	_ =	shalt  }
0x6c: {  	_ =	shalt  }
0x6d: {  	_ =	shalt  }
0x6e: {  	_ =	shalt  }
0x6f: {  	_ =	shalt  }
0x70: {  	_ =	shalt  }
0x71: {  	_ =	shalt  }
0x72: {  	_ =	shalt  }
0x73: {  	_ =	shalt  }
0x74: {  	_ =	shalt  }
0x75: {  	_ =	shalt  }
0x76: {  	_ =	shalt  }
0x77: {  	_ =	shalt  }
0x78: {  	_ =	shalt  }
0x79: {  	_ =	shalt  }
0x7a: {  	_ =	shalt  }
0x7b: {  	_ =	shalt  }
0x7c: {  	_ =	shalt  }
0x7d: {  	_ =	shalt  }
0x7e: {  	_ =	shalt  }
0x7f: {  	_ =	shalt  }
0x80: {  	_ =	shalt  }
0x81: {  	_ =	shalt  }
0x82: {  	_ =	shalt  }
0x83: {  	_ =	shalt  }
0x84: {  	_ =	shalt  }
0x85: {  	_ =	shalt  }
0x86: {  	_ =	shalt  }
0x87: {  	_ =	shalt  }
.Lfunc_end0:
.L_simem_size_0:
called_computation_lowered:
.L_overlay_start_0:
0x88: {  	s2 =	sld [smem:$0x3FD9]  }
0x89: {  	s3 =	sld [smem:$0x3FFE];
	_ =	sdelay $0x1  }
0x8a: {  	s1 =	srdreg.scid  }
0x8b: {  	s0 =	sand.u32 $0x1, s1  }
0x8c: {  	s17 =	sshll.u32 s0, $0xA;
	s2 =	sadd.s32 s3, s2  }
0x8d: {  	s2 =	sadd.s32 s2, s17  }
0x8e: {  	[smem:$0x3FC0] =	sst s2  }
0x8f: {  	_ = 	snop  }
0x90: {  	s2 =	sld [smem:$0x3FC7]  }
0x91: {  	s18 =	sld [smem:$0x3FD0];
	(tm) =	ssettm $0x1  }
0x92: {  	s4 =	sld [smem:$0x3FFB];
	_ =	sdelay $0x3  }
0x93: {  	_ =	strace s4  }
0x94: {  	s4 =	sld [smem:$0x3FFC];
	_ =	sdelay $0x3  }
0x95: {  	_ =	strace s4  }
0x96: {  	s4 =	sld [smem:$0x3FFD];
	_ =	sdelay $0x3  }
0x97: {  	_ =	strace s4  }
0x98: {  	_ =	strace $0x8FFFFFFF  }
0x99: {  	s19 =	sld [smem:$0x3FDB];
	_ =	sdelay $0x1  }
0x9a: {  	s5 =	simm.s32 $_scs_section_size  }
0x9b: {  	s6 =	simm.s32 $_size__tile_overlayer_lowered;
	s7 =	simm.s32 $_tile_overlayer_lowered  }
0x9c: {  	s22 =	simm.s32 $0x1BFF;
	s21 =	sshll.u32 s7, $0x1;
	s4 =	sadd.s32 s5, s19  }
0x9d: {  	s8 =	simm.s32 $0x0;
	s20 =	sshll.u32 s6, $0x1;
	s6 =	sadd.s32 s21, s4  }
0x9e: {  	[timem:s8], [sflag:s22] =	dma.local [hbm:s6], s20  }
0x9f: {  	_ =	swait.ge [sflag:s22], s20  }
0xa0: {  	s5 =	ssub.s32 $0x0, s20;
	[sflag:s22] =	ssyncset.done $0x0  }
0xa1: {  	[sflag:s22] =	ssyncadd.s32 s5;
	_ =	sdelay $0x1  }
0xa2: {  	s23 =	simm.s32 $0x1B8B  }
0xa3: {  	_ =	swait.ge [sflag:s23], $0x1  }
0xa4: {  	[sflag:s23] =	ssyncset.done $0x0  }
0xa5: {  	s25 =	simm.s32 $0x1B8E;
	s24 =	sld [smem:$0x3FFE];
	[sflag:s23] =	ssyncadd.s32 $0xFFFFFFFF  }
0xa6: {  	s26 =	simm.s32 $execute0_lowered;
	[smem:$0x3FD2] =	sst s25  }
0xa7: {  	s6 =	sshll.u32 s26, $0x1;
	_ =	strace $0x80000046;
	[dreg:$0x1] =	wrdreg $0xFFFFFFFF  }
0xa8: {  	s28 =	simm.s32 $_size_execute0_lowered;
	s4 =	sadd.s32 s4, s6;
	[dreg:$0x0] =	wrdreg $0x0  }
0xa9: {  	s6 =	sshll.u32 s28, $0x1;
	[dreg:$0x2] =	wrdreg s4  }
0xaa: {  	[dreg:$0x3] =	wrdreg s6  }
0xab: {  	[dreg:$0x4] =	wrdreg $0xC0  }
0xac: {  	_ =	task [dreg:s8], $0x5FFFF  }
0xad: {  	[dreg:$0x1] =	wrdreg $0xFFFFFFFF  }
0xae: {  	[dreg:$0x0] =	wrdreg $0x60  }
0xaf: {  	[dreg:$0x2] =	wrdreg s24  }
0xb0: {  	[dreg:$0x3] =	wrdreg s2  }
0xb1: {  	[dreg:$0x4] =	wrdreg s18  }
0xb2: {  	[dreg:$0x5] =	wrdreg $0xA6E00  }
0xb3: {  	[dreg:$0x6] =	wrdreg $0x143200  }
0xb4: {  	[dreg:$0x7] =	wrdreg $0x9  }
0xb5: {  	_ =	task.clear_ibuf [dreg:s8], $0x8FFFF;
	_ =	strace $0x90000046  }
0xb6: {  	s29 =	simm.s32 $0x9;
	_ =	strace $0x80000056  }
0xb7: {  	_ =	swait.ge [sflag:s29], $0x1  }
0xb8: {  	[sflag:s29] =	ssyncadd.s32 $0xFFFFFFFF  }
0xb9: {  	_ =	strace $0x90000056  }
0xba: {  	_ =	sfence  }
0xbb: {  	s30 =	sld [smem:$0x0];
	_ =	sdelay $0x2  }
0xbc: {  	s31 =	sshll.u32 s1, $0xD;
	s1 =	sshrl.u32 s1, $0x2  }
0xbd: {  	s3 =	sand.u32 $0x4000, s31;
	s1 =	sadd.s32 s1, s30  }
0xbe: {  	s0 =	sor.u32 s3, s0;
	s1 =	sshll.u32 s1, $0x11  }
0xbf: {  	s0 =	sor.u32 s1, s0  }
0xc0: {  	s0 =	sadd.s32 $0x8F2B, s0  }
0xc1: {  	[sflag:s0] =	ssyncadd.remote.s32 $0x1  }
0xc2: {  	_ =	sfence.sel $0xFFFF  }
0xc3: {  	[dreg:$0x0] =	wrdreg $0xFFFFFFFF;
	(pc) =	sbr.abs _section_cstart, $3  }
0xc4: {  	[dreg:$0x1] =	wrdreg $0xFFFFFFFF  }
0xc5: {  	_ =	task.clear_ibuf [dreg:s8], $0x2FFFF;
	_ =	strace $0x9FFFFFFF  }
0xc6: {  	(tm) =	ssettm $0x7FFFFFFF  }
0xc7: {  	_ =	shalt  }
tec
execute0_lowered:
.L_overlay_start_1:
0x0: {  	(tag) =	ssettag $0x1  }
0x1: {  	s0 =	rddreg [dreg:$0x0]  }
0x2: {  	s1 =	rddreg [dreg:$0x2]  }
0x3: {  	s14 =	stileid.u32;
	s2 =	srdreg.scid  }
0x4: {  	s3 =	rddreg [dreg:$0x3];
	s4 =	smul.u32 $0x500, s14  }
0x5: {  	s6 =	rddreg [dreg:$0x4];
	s5 =	simm.s32 $0x0;
	s9 =	smul.u32 $0x140, s14  }
0x6: {  	s28 =	simm.s32 $0x7B20;
	s29 =	simm.s32 $0x7EE0;
	s12 =	smul.u32 $0x4E8, s14  }
0x7: {  	s30 =	simm.s32 $0x7B70;
	s2 =	sand.u32 $0x1, s2;
	s14 =	smul.u32 $0x5000, s14  }
0x8: {  	s31 =	simm.s32 $0x88E0;
	[smem:$0x7FF] =	sst s5;
	s7 =	smul.u32 $0x1400, s2  }
0x9: {  	_ =	strace $0x80000047;
	s2 =	ssub.s32 $0x2, s2;
	s8 =	sshrl.u32 s4, $0x3  }
0xa: {  	s17 =	sshrl.u32 s2, $0x1;
	s12 =	smin.u32 s12, $0x4938;
	s21 =	sshrl.u32 s14, $0x2  }
0xb: {  	s10 =	sadd.s32 s9, s7;
	s11 =	sadd.s32 s8, s0;
	s2 =	ssub.s32 s2, s17  }
0xc: {  	s18 =	sshll.u32 s12, $0x5;
	s20 =	sshll.u32 s12, $0x2;
	s8 =	sadd.s32 s21, s6  }
0xd: {  	s9 =	sadd.s32 s9, s6;
	s21 =	simm.s32 $0x5320;
	s6 =	simm.s32 $0x9CE0  }
0xe: {  	v0 =	vmov s7;
	s7 =	simm.s32 $0x1;
	s15 =	sshll.u32 s10, $0x2;
	s16 =	sshrl.u32 s10, $0x3  }
0xf: {  	s19 =	sadd.s32 s18, s3;
	s1 =	sadd.s32 s1, s20;
	s22 =	sadd.s32 $0x1C00, s11  }
0x10: {  	s26 =	sadd.s32 $0x2600, s11;
	s17 =	smax.u32 s2, $0x1;
	s18 =	simm.s32 $0x500  }
0x11: {  	s20 =	simm.s32 $0x3;
	s2 =	simm.s32 $0x7BC0;
	[dreg:$0x6] =	wrdreg s1  }
0x12: {  	s10 =	simm.s32 $0x7C60;
	s11 =	simm.s32 $0x0;
	[dreg:$0x7] =	wrdreg s22  }
0x13: {  	s13 =	sadd.s32 s15, s0;
	s0 =	sadd.s32 s16, s0;
	[dreg:$0xb] =	wrdreg s26  }
0x14: {  	s19 =	sshrl.u32 s19, $0x3;
	s26 =	simm.s32 $0x50;
	s1 =	simm.s32 $0x92E0  }
0x15: {  	s22 =	simm.s32 $0x7DA0;
	s23 =	sadd.s32 $0x3000, s13;
	s24 =	sadd.s32 $0x17000, s0  }
0x16: {  	s25 =	sadd.s32 $0x17600, s0;
	s14 =	sadd.s32 $0xD000, s13;
	[dreg:$0x8] =	wrdreg s23  }
0x17: {  	s15 =	sadd.s32 $0x17C00, s0;
	s16 =	sadd.s32 $0x18200, s0;
	[dreg:$0x9] =	wrdreg s24  }
0x18: {  	v1 =	vimm.s32 $0xFFFFFFFF;
	v2 =	vlaneseq.u32;
	v3 =	vimm.f32 $0.0e+00;
	s0 =	simm.s32 $0x7C10;
	[dreg:$0xa] =	wrdreg s25;
	s25 =	simm.s32 $0x2  }
.LBB2_1:
0x19: {  	s12 =	rddreg [dreg:$0x1];
	s23 =	stileid.u32  }
0x1a: {  	[tilespmem:s18], [sflag:$0x2] =	stream.linear.gather [hbm4b:s12+s5], $0x4E20, $0x38;
	[tilespmem:$0x15720] =	vst v63  }
0x1b: {  	s12 =	sshll.u32 s23, $0x6;
	_ =	strace $0x80000048  }
0x1c: {  	s12 =	sor.u32 $0x1C03, s12;
	s13 =	rddreg [dreg:$0x6]  }
0x1d: {  	[spmem:s19], [sflag:s12] =	dma.local [hbm:s13], $0x13A0  }
0x1e: {  	_ =	swait.ge [sflag:s20], $0x13A0  }
0x1f: {  	[sflag:s20] =	ssyncset.done $0x0  }
0x20: {  	[sflag:s20] =	ssyncadd.s32 $0xFFFFEC60  }
0x21: {  	_ =	strace $0x90000048  }
0x22: {  	s24 =	rddreg [dreg:$0x7]  }
0x23: {  	[tilespmem:s5], [sflag:$0x3] =	stream.linear.gather [hbm4b:s24+s5], $0x500, $0x38;
	[tilespmem:$0x15720] =	vst v63  }
0x24: {  	_ =	swait.ge [sflag:s20], $0x500  }
0x25: {  	[sflag:s20] =	ssyncset.done $0x0  }
0x26: {  	[sflag:s20] =	ssyncadd.s32 $0xFFFFFB00  }
0x27: {  	s12 =	simm.s32 $0x40;
	s13 =	simm.s32 $0x0;
	_ =	strace $0x80000049  }
.LBB2_2:
0x28: {  	p0 =	sne.s32 s12, $0x4FC0;
	[tilespmem:s13+$0x5320] =	vst v1;
	s13 =	smov.u32 s12;
	s12 =	sadd.s32 $0x40, s12  }
.Ltmp0:
0x29: {  	(pc) =	sbr.rel @p0 .LBB2_2-.Ltmp0, $2  }
0x2a: {  	_ =	sdelay $0x2  }
0x2b: {  	s13 =	sshra.s32 s13, $0x2  }
0x2c: {  	[tilespmem:s13+$0x5320] =	vst v1  }
0x2d: {  	_ =	strace $0x90000049  }
0x2e: {  	s12 =	simm.s32 $0x0;
	_ =	strace $0x8000004A  }
0x2f: {  	v4 =	vld [tilespmem:s12+$0x0];
	_ =	sdelay $0x4  }
0x30: {  	v5 =	vsub.s32 v4, v0  }
0x31: {  	vm0 =	vlt.u32 v5, $0x1400  }
0x32: {  	(xrf1) =	vunique.msk.u32 vm0, v4;
	_ =	sdelay $0xd  }
0x33: {  	_, v6, vm1 =	vpop (xrf1)  }
0x34: {  	v5 =	vand.u32 $0xFFFFFFF8, v5;
	v4 =	vand.u32 $0x7, v4;
	vm0 =	vmand vm0, vm1  }
0x35: {  	v5 =	vor.u32 v4, v5;
	_ =	sdelay $0x3  }
0x36: {  	v4 =	vor.u32 s4, v2  }
0x37: {  	s23 =	simm.s32 $0x10;
	s13 =	simm.s32 $0x80;
	s12 =	smov.u32 s4;
	[tilespmem:v5+s21+$0x0] =	vst.idx.msk vm0, v4  }
.LBB2_4:
0x38: {  	p0 =	sne.s32 s13, $0x13C0;
	v5 =	vld [tilespmem:s23+$0x0];
	_ =	sdelay $0x4  }
0x39: {  	v6 =	vsub.s32 v5, v0  }
0x3a: {  	vm0 =	vlt.u32 v6, $0x1400  }
0x3b: {  	(xrf1) =	vunique.msk.u32 vm0, v5;
	_ =	sdelay $0xd  }
0x3c: {  	_, v7, vm1 =	vpop (xrf1)  }
0x3d: {  	v6 =	vand.u32 $0xFFFFFFF8, v6;
	v5 =	vand.u32 $0x7, v5;
	vm0 =	vmand vm0, vm1  }
0x3e: {  	v5 =	vor.u32 v5, v6  }
.Ltmp1:
0x3f: {  	(pc) =	sbr.rel @p0 .LBB2_4-.Ltmp1, $4  }
0x40: {  	_ = 	snop  }
0x41: {  	s12 =	sadd.s32 $0x10, s12  }
0x42: {  	v6 =	vor.u32 s12, v2  }
0x43: {  	s23 =	sshra.s32 s13, $0x2;
	s13 =	sadd.s32 $0x40, s13;
	[tilespmem:v5+s21+$0x0] =	vst.idx.msk vm0, v6  }
0x44: {  	v5 =	vld [tilespmem:s23+$0x0];
	_ =	sdelay $0x4  }
0x45: {  	v6 =	vsub.s32 v5, v0  }
0x46: {  	vm0 =	vlt.u32 v6, $0x1400  }
0x47: {  	(xrf1) =	vunique.msk.u32 vm0, v5;
	_ =	sdelay $0xd  }
0x48: {  	_, v7, vm1 =	vpop (xrf1)  }
0x49: {  	v6 =	vand.u32 $0xFFFFFFF8, v6;
	v5 =	vand.u32 $0x7, v5;
	vm0 =	vmand vm0, vm1  }
0x4a: {  	v5 =	vor.u32 v5, v6;
	_ =	sdelay $0x2  }
0x4b: {  	s12 =	sadd.s32 $0x10, s12  }
0x4c: {  	v6 =	vor.u32 s12, v2  }
0x4d: {  	[tilespmem:v5+s21+$0x0] =	vst.idx.msk vm0, v6  }
0x4e: {  	_ =	strace $0x9000004A  }
0x4f: {  	_ =	strace $0x8000004B  }
0x50: {  	[spmem:s8] =	stream.linear.scatter [tilespmem:s21], [sflag:$0x3], $0x1400, $0x200038;
	[tilespmem:$0x15720] =	vst v63  }
0x51: {  	_ =	swait.ge [sflag:s20], $0x1400  }
0x52: {  	[sflag:s20] =	ssyncset.done $0x0  }
0x53: {  	s23 =	simm.s32 $0x140;
	[sflag:s20] =	ssyncadd.s32 $0xFFFFEC00  }
0x54: {  	s13 =	simm.s32 $0x1400;
	s24 =	simm.s32 $0x6720;
	[bflag:$0x0] =	sbarrier.arrive $0xFFFF  }
0x55: {  	[tilespmem:s24], [sflag:$0x3] =	stream.strided.gather [spmem:s9], $0x1400, s13, s23, $0x200038;
	[tilespmem:$0x15720] =	vst v63  }
0x56: {  	_ =	swait.ge [sflag:s20], $0x1400  }
0x57: {  	[sflag:s20] =	ssyncset.done $0x0  }
0x58: {  	[sflag:s20] =	ssyncadd.s32 $0xFFFFEC00  }
0x59: {  	[bflag:$0x0] =	sbarrier.arrive $0xFFFF  }
0x5a: {  	_ =	strace $0x9000004B  }
0x5b: {  	_ =	strace $0x8000004C  }
0x5c: {  	_ =	swait.ge [sflag:s25], $0x4E20  }
0x5d: {  	[sflag:s25] =	ssyncset.done $0x0  }
0x5e: {  	[sflag:s25] =	ssyncadd.s32 $0xFFFFB1E0  }
0x5f: {  	_ =	strace $0x9000004C  }
0x60: {  	s23 =	simm.s32 $0x0;
	_ =	strace $0x8000004D  }
0x61: {  	v5 =	vld [tilespmem:s23+$0x6720]  }
0x62: {  	v6 =	vld [tilespmem:s23+$0x6860];
	_ =	sdelay $0x1  }
0x63: {  	v7 =	vld [tilespmem:s23+$0x69A0];
	_ =	sdelay $0x1  }
0x64: {  	v8 =	vld [tilespmem:s23+$0x6AE0]  }
0x65: {  	vm0 =	vgt.s32 v5, v6  }
0x66: {  	v5 =	vsel vm0, v5, v6;
	v6 =	vld [tilespmem:s23+$0x6C20]  }
0x67: {  	vm0 =	vgt.s32 v5, v7  }
0x68: {  	v5 =	vsel vm0, v5, v7;
	v7 =	vld [tilespmem:s23+$0x6D60]  }
0x69: {  	vm0 =	vgt.s32 v5, v8  }
0x6a: {  	v5 =	vsel vm0, v5, v8;
	v8 =	vld [tilespmem:s23+$0x6EA0]  }
0x6b: {  	vm0 =	vgt.s32 v5, v6  }
0x6c: {  	v5 =	vsel vm0, v5, v6;
	v6 =	vld [tilespmem:s23+$0x6FE0]  }
0x6d: {  	vm0 =	vgt.s32 v5, v7  }
0x6e: {  	v5 =	vsel vm0, v5, v7;
	v7 =	vld [tilespmem:s23+$0x7120]  }
0x6f: {  	s12 =	simm.s32 $0x10;
	v9 =	vld [tilespmem:s23+$0x7260];
	vm0 =	vgt.s32 v5, v8  }
0x70: {  	v10 =	vld [tilespmem:s12+$0x6720];
	v5 =	vsel vm0, v5, v8  }
0x71: {  	v8 =	vld [tilespmem:s12+$0x6860];
	vm0 =	vgt.s32 v5, v6  }
0x72: {  	v11 =	vld [tilespmem:s23+$0x73A0];
	v5 =	vsel vm0, v5, v6  }
0x73: {  	v6 =	vld [tilespmem:s12+$0x69A0];
	vm0 =	vgt.s32 v5, v7  }
0x74: {  	v5 =	vsel vm0, v5, v7;
	v7 =	vld [tilespmem:s23+$0x74E0]  }
0x75: {  	v12 =	vld [tilespmem:s12+$0x6AE0];
	vm0 =	vgt.s32 v5, v9  }
0x76: {  	vm1 =	vgt.s32 v10, v8;
	v5 =	vsel vm0, v5, v9;
	v9 =	vld [tilespmem:s23+$0x7620]  }
0x77: {  	v8 =	vsel vm1, v10, v8;
	v10 =	vld [tilespmem:s12+$0x6C20];
	vm0 =	vgt.s32 v5, v11  }
0x78: {  	v13 =	vld [tilespmem:s23+$0x7760];
	vm1 =	vgt.s32 v8, v6;
	v5 =	vsel vm0, v5, v11  }
0x79: {  	v14 =	vld [tilespmem:s12+$0x6D60];
	v6 =	vsel vm1, v8, v6;
	vm0 =	vgt.s32 v5, v7  }
0x7a: {  	vm1 =	vgt.s32 v6, v12;
	v5 =	vsel vm0, v5, v7;
	v7 =	vld [tilespmem:s23+$0x78A0]  }
0x7b: {  	v11 =	vsel vm1, v6, v12;
	v6 =	vld [tilespmem:s12+$0x6EA0];
	vm0 =	vgt.s32 v5, v9  }
0x7c: {  	v8 =	vld [tilespmem:s23+$0x79E0];
	vm1 =	vgt.s32 v11, v10;
	v12 =	vsel vm0, v5, v9  }
0x7d: {  	v10 =	vsel vm1, v11, v10;
	v9 =	vld [tilespmem:s12+$0x6FE0];
	vm0 =	vgt.s32 v12, v13  }
0x7e: {  	v5 =	vld [tilespmem:s12+$0x73A0];
	vm1 =	vgt.s32 v10, v14;
	v11 =	vsel vm0, v12, v13  }
0x7f: {  	s24 =	simm.s32 $0x80;
	v12 =	vsel vm1, v10, v14;
	v10 =	vld [tilespmem:s12+$0x7120];
	vm0 =	vgt.s32 v11, v7  }
.LBB2_6:
0x80: {  	s13 =	sshra.s32 s24, $0x2;
	p0 =	sne.s32 s24, $0x4C0;
	s24 =	sadd.s32 $0x40, s24;
	vm1 =	vgt.s32 v12, v6;
	v13 =	vld [tilespmem:s12+$0x7260];
	v7 =	vsel vm0, v11, v7  }
0x81: {  	v11 =	vld [tilespmem:s13+$0x6720];
	v6 =	vsel vm1, v12, v6;
	vm0 =	vgt.s32 v7, v8  }
0x82: {  	v12 =	vld [tilespmem:s13+$0x6860];
	vm1 =	vgt.s32 v6, v9;
	v7 =	vsel vm0, v7, v8  }
0x83: {  	v8 =	vld [tilespmem:s13+$0x69A0];
	v6 =	vsel vm1, v6, v9;
	vm0 =	vgt.s32 v7, $0xFFFFFFFF;
	vm1 =	vgt.s32 v7, $0x0  }
0x84: {  	v9 =	vld [tilespmem:s13+$0x6AE0];
	vm2 =	vgt.s32 v6, v10;
	v7 =	vnsel vm1, $0x0, v7  }
0x85: {  	v6 =	vsel vm2, v6, v10;
	v10 =	vld [tilespmem:s12+$0x74E0];
	[tilespmem:s23+$0x7B20] =	vst v7  }
0x86: {  	vm1 =	vgt.s32 v6, v13;
	v14 =	vld [tilespmem:s12+$0x7760]  }
0x87: {  	vm2 =	vgt.s32 v11, v12;
	v6 =	vsel vm1, v6, v13;
	v13 =	vld [tilespmem:s12+$0x7620]  }
0x88: {  	v11 =	vsel vm2, v11, v12;
	v12 =	vld [tilespmem:s13+$0x6C20];
	vm1 =	vgt.s32 v6, v5  }
0x89: {  	vm2 =	vgt.s32 v11, v8;
	v5 =	vsel vm1, v6, v5;
	v15 =	vld.idx.msk [tilespmem:v7+s18+$0x0], $0xffff;
	v6 =	vsel vm0, $0x3F800000, v3  }
0x8a: {  	v8 =	vsel vm2, v11, v8;
	v16 =	vld [tilespmem:s13+$0x6D60];
	vm0 =	vgt.s32 v5, v10;
	[tilespmem:s23+$0x7DA0] =	vst v6  }
0x8b: {  	vm1 =	vgt.s32 v8, v9;
	v5 =	vsel vm0, v5, v10;
	v7 =	vld [tilespmem:s12+$0x78A0]  }
.Ltmp2:
0x8c: {  	v9 =	vsel vm1, v8, v9;
	v6 =	vld [tilespmem:s13+$0x6EA0];
	vm0 =	vgt.s32 v5, v13;
	(pc) =	sbr.rel @p0 .LBB2_6-.Ltmp2, $4  }
0x8d: {  	vm1 =	vgt.s32 v9, v12;
	v10 =	vsel vm0, v5, v13;
	v8 =	vld [tilespmem:s12+$0x79E0]  }
0x8e: {  	v12 =	vsel vm1, v9, v12;
	v9 =	vld [tilespmem:s13+$0x6FE0];
	vm0 =	vgt.s32 v10, v14  }
0x8f: {  	vm1 =	vgt.s32 v12, v16;
	v5 =	vld [tilespmem:s13+$0x73A0];
	v11 =	vsel vm0, v10, v14;
	[tilespmem:s23+$0x7C60] =	vst v15;
	s23 =	smov.u32 s12;
	s12 =	smov.u32 s13  }
0x90: {  	v12 =	vsel vm1, v12, v16;
	v10 =	vld [tilespmem:s12+$0x7120];
	vm0 =	vgt.s32 v11, v7  }
0x91: {  	vm1 =	vgt.s32 v12, v6  }
0x92: {  	v7 =	vsel vm0, v11, v7;
	v59 =	vld [tilespmem:s12+$0x7260];
	v6 =	vsel vm1, v12, v6  }
0x93: {  	vm0 =	vgt.s32 v7, v8;
	vm1 =	vgt.s32 v6, v9  }
0x94: {  	v7 =	vsel vm0, v7, v8;
	v6 =	vsel vm1, v6, v9  }
0x95: {  	vm0 =	vgt.s32 v7, $0x0;
	vm1 =	vgt.s32 v6, v10  }
0x96: {  	v60 =	vld [tilespmem:s12+$0x74E0];
	v8 =	vnsel vm0, $0x0, v7;
	v6 =	vsel vm1, v6, v10  }
0x97: {  	[tilespmem:s23+$0x7B20] =	vst v8;
	vm11 =	vgt.s32 v6, v59  }
0x98: {  	v61 =	vld [tilespmem:s12+$0x7620];
	v6 =	vsel vm11, v6, v59  }
0x99: {  	vm12 =	vgt.s32 v7, $0xFFFFFFFF;
	vm13 =	vgt.s32 v6, v5  }
0x9a: {  	v62 =	vsel vm12, $0x3F800000, v3;
	v7 =	vld [tilespmem:s12+$0x7760];
	v5 =	vsel vm13, v6, v5  }
0x9b: {  	v6 =	vld.idx.msk [tilespmem:v8+s18+$0x0], $0xffff;
	[tilespmem:s23+$0x7DA0] =	vst v62;
	vm14 =	vgt.s32 v5, v60  }
0x9c: {  	v8 =	vld [tilespmem:s12+$0x78A0];
	v5 =	vsel vm14, v5, v60  }
0x9d: {  	vm0 =	vgt.s32 v5, v61  }
0x9e: {  	v63 =	vld [tilespmem:s12+$0x79E0];
	v5 =	vsel vm0, v5, v61  }
0x9f: {  	vm0 =	vgt.s32 v5, v7  }
0xa0: {  	v5 =	vsel vm0, v5, v7  }
0xa1: {  	vm0 =	vgt.s32 v5, v8  }
0xa2: {  	v5 =	vsel vm0, v5, v8  }
0xa3: {  	vm0 =	vgt.s32 v5, v63  }
0xa4: {  	v5 =	vsel vm0, v5, v63  }
0xa5: {  	vm0 =	vgt.s32 v5, $0x0  }
0xa6: {  	v7 =	vnsel vm0, $0x0, v5;
	_ =	sdelay $0x2  }
0xa7: {  	[tilespmem:s23+$0x7C60] =	vst v6  }
0xa8: {  	[tilespmem:s12+$0x7B20] =	vst v7  }
0xa9: {  	v6 =	vld.idx.msk [tilespmem:v7+s18+$0x0], $0xffff;
	_ =	sdelay $0x1  }
0xaa: {  	vm15 =	vgt.s32 v5, $0xFFFFFFFF  }
0xab: {  	v5 =	vsel vm15, $0x3F800000, v3  }
0xac: {  	[tilespmem:s12+$0x7DA0] =	vst v5  }
0xad: {  	[tilespmem:s12+$0x7C60] =	vst v6  }
0xae: {  	_ =	strace $0x9000004D  }
0xaf: {  	_ =	strace $0x8000004E  }
0xb0: {  	[tilespmem:s29], [sflag:$0x1] =	stream.indirect.gather [spmem:s3], $0x20, s28, s26, $0x2000b8;
	[tilespmem:$0x15720] =	vst v63  }
0xb1: {  	_ = 	snop  }
0xb2: {  	[tilespmem:s31], [sflag:$0x1] =	stream.indirect.gather [spmem:s3], $0x20, s30, s26, $0x2000b8;
	[tilespmem:$0x15720] =	vst v63  }
0xb3: {  	_ = 	snop  }
0xb4: {  	[tilespmem:s1], [sflag:$0x1] =	stream.indirect.gather [spmem:s3], $0x20, s2, s26, $0x2000b8;
	[tilespmem:$0x15720] =	vst v63  }
0xb5: {  	_ = 	snop  }
0xb6: {  	[tilespmem:s6], [sflag:$0x1] =	stream.indirect.gather [spmem:s3], $0x20, s0, s26, $0x2000b8;
	[tilespmem:$0x15720] =	vst v63  }
0xb7: {  	_ =	swait.ge [sflag:s7], $0xA00  }
0xb8: {  	[sflag:s7] =	ssyncset.done $0x0  }
0xb9: {  	[sflag:s7] =	ssyncadd.s32 $0xFFFFF600  }
0xba: {  	_ =	swait.ge [sflag:s7], $0xA00  }
0xbb: {  	[sflag:s7] =	ssyncset.done $0x0  }
0xbc: {  	[sflag:s7] =	ssyncadd.s32 $0xFFFFF600  }
0xbd: {  	_ =	swait.ge [sflag:s7], $0xA00  }
0xbe: {  	[sflag:s7] =	ssyncset.done $0x0  }
0xbf: {  	[sflag:s7] =	ssyncadd.s32 $0xFFFFF600  }
0xc0: {  	_ =	swait.ge [sflag:s7], $0xA00  }
0xc1: {  	[sflag:s7] =	ssyncset.done $0x0  }
0xc2: {  	[sflag:s7] =	ssyncadd.s32 $0xFFFFF600  }
0xc3: {  	_ =	strace $0x9000004E  }
0xc4: {  	_ =	strace $0x8000004F  }
0xc5: {  	s12 =	simm.s32 $0x0;
	s13 =	rddreg [dreg:$0x8]  }
0xc6: {  	[hbm4b:s13+s12] =	stream.linear.scatter [tilespmem:s29], [sflag:$0x3], $0x2800, $0x200038;
	[tilespmem:$0x15720] =	vst v63  }
0xc7: {  	_ =	swait.ge [sflag:s20], $0x2800  }
0xc8: {  	[sflag:s20] =	ssyncset.done $0x0  }
0xc9: {  	s24 =	rddreg [dreg:$0x9];
	[sflag:s20] =	ssyncadd.s32 $0xFFFFD800  }
0xca: {  	[hbm4b:s24+s12] =	stream.linear.scatter [tilespmem:s10], [sflag:$0x3], $0x140, $0x200038;
	[tilespmem:$0x15720] =	vst v63  }
0xcb: {  	_ =	swait.ge [sflag:s20], $0x140  }
0xcc: {  	[sflag:s20] =	ssyncset.done $0x0  }
0xcd: {  	s23 =	rddreg [dreg:$0xa];
	[sflag:s20] =	ssyncadd.s32 $0xFFFFFEC0  }
0xce: {  	[hbm4b:s23+s12] =	stream.linear.scatter [tilespmem:s22], [sflag:$0x3], $0x140, $0x200038;
	[tilespmem:$0x15720] =	vst v63  }
0xcf: {  	_ =	swait.ge [sflag:s20], $0x140  }
0xd0: {  	[sflag:s20] =	ssyncset.done $0x0  }
0xd1: {  	[sflag:s20] =	ssyncadd.s32 $0xFFFFFEC0  }
0xd2: {  	_ =	strace $0x9000004F  }
0xd3: {  	s24 =	rddreg [dreg:$0xb]  }
0xd4: {  	[tilespmem:s12], [sflag:$0x3] =	stream.linear.gather [hbm4b:s24+s12], $0x500, $0x38;
	[tilespmem:$0x15720] =	vst v63  }
0xd5: {  	_ =	swait.ge [sflag:s20], $0x500  }
0xd6: {  	[sflag:s20] =	ssyncset.done $0x0  }
0xd7: {  	[sflag:s20] =	ssyncadd.s32 $0xFFFFFB00  }
0xd8: {  	s13 =	simm.s32 $0x0;
	s12 =	simm.s32 $0x40;
	_ =	strace $0x80000050  }
.LBB2_8:
0xd9: {  	p0 =	sne.s32 s12, $0x4FC0;
	[tilespmem:s13+$0x5320] =	vst v1;
	s13 =	smov.u32 s12;
	s12 =	sadd.s32 $0x40, s12  }
.Ltmp3:
0xda: {  	(pc) =	sbr.rel @p0 .LBB2_8-.Ltmp3, $2  }
0xdb: {  	_ =	sdelay $0x2  }
0xdc: {  	s13 =	sshra.s32 s13, $0x2  }
0xdd: {  	[tilespmem:s13+$0x5320] =	vst v1  }
0xde: {  	_ =	strace $0x90000050  }
0xdf: {  	s12 =	simm.s32 $0x0;
	_ =	strace $0x80000051  }
0xe0: {  	v5 =	vld [tilespmem:s12+$0x0];
	_ =	sdelay $0x4  }
0xe1: {  	v6 =	vsub.s32 v5, v0  }
0xe2: {  	vm0 =	vlt.u32 v6, $0x1400  }
0xe3: {  	(xrf1) =	vunique.msk.u32 vm0, v5;
	_ =	sdelay $0xd  }
0xe4: {  	_, v7, vm1 =	vpop (xrf1)  }
0xe5: {  	v6 =	vand.u32 $0xFFFFFFF8, v6;
	v5 =	vand.u32 $0x7, v5;
	vm0 =	vmand vm0, vm1  }
0xe6: {  	v5 =	vor.u32 v5, v6;
	_ =	sdelay $0x4  }
0xe7: {  	s23 =	simm.s32 $0x10;
	s13 =	simm.s32 $0x80;
	s12 =	smov.u32 s4;
	[tilespmem:v5+s21+$0x0] =	vst.idx.msk vm0, v4  }
.LBB2_10:
0xe8: {  	p0 =	sne.s32 s13, $0x13C0;
	v4 =	vld [tilespmem:s23+$0x0];
	_ =	sdelay $0x4  }
0xe9: {  	v5 =	vsub.s32 v4, v0  }
0xea: {  	vm0 =	vlt.u32 v5, $0x1400  }
0xeb: {  	(xrf1) =	vunique.msk.u32 vm0, v4;
	_ =	sdelay $0xd  }
0xec: {  	_, v6, vm1 =	vpop (xrf1)  }
0xed: {  	v5 =	vand.u32 $0xFFFFFFF8, v5;
	v4 =	vand.u32 $0x7, v4;
	vm0 =	vmand vm0, vm1  }
0xee: {  	v4 =	vor.u32 v4, v5  }
.Ltmp4:
0xef: {  	(pc) =	sbr.rel @p0 .LBB2_10-.Ltmp4, $4  }
0xf0: {  	_ = 	snop  }
0xf1: {  	s12 =	sadd.s32 $0x10, s12  }
0xf2: {  	v5 =	vor.u32 s12, v2  }
0xf3: {  	s23 =	sshra.s32 s13, $0x2;
	s13 =	sadd.s32 $0x40, s13;
	[tilespmem:v4+s21+$0x0] =	vst.idx.msk vm0, v5  }
0xf4: {  	v4 =	vld [tilespmem:s23+$0x0];
	_ =	sdelay $0x4  }
0xf5: {  	v5 =	vsub.s32 v4, v0  }
0xf6: {  	vm0 =	vlt.u32 v5, $0x1400  }
0xf7: {  	(xrf1) =	vunique.msk.u32 vm0, v4;
	_ =	sdelay $0xd  }
0xf8: {  	_, v6, vm1 =	vpop (xrf1)  }
0xf9: {  	v5 =	vand.u32 $0xFFFFFFF8, v5;
	v4 =	vand.u32 $0x7, v4;
	vm0 =	vmand vm0, vm1  }
0xfa: {  	v4 =	vor.u32 v4, v5;
	_ =	sdelay $0x2  }
0xfb: {  	s12 =	sadd.s32 $0x10, s12  }
0xfc: {  	v5 =	vor.u32 s12, v2  }
0xfd: {  	[tilespmem:v4+s21+$0x0] =	vst.idx.msk vm0, v5  }
0xfe: {  	_ =	strace $0x90000051  }
0xff: {  	_ =	strace $0x80000052  }
0x100: {  	[spmem:s8] =	stream.linear.scatter [tilespmem:s21], [sflag:$0x3], $0x1400, $0x200038;
	[tilespmem:$0x15720] =	vst v63  }
0x101: {  	_ =	swait.ge [sflag:s20], $0x1400  }
0x102: {  	[sflag:s20] =	ssyncset.done $0x0  }
0x103: {  	s23 =	simm.s32 $0x140;
	[sflag:s20] =	ssyncadd.s32 $0xFFFFEC00  }
0x104: {  	s13 =	simm.s32 $0x1400;
	s24 =	simm.s32 $0x6720;
	[bflag:$0x0] =	sbarrier.arrive $0xFFFF  }
0x105: {  	[tilespmem:s24], [sflag:$0x3] =	stream.strided.gather [spmem:s9], $0x1400, s13, s23, $0x200038;
	[tilespmem:$0x15720] =	vst v63  }
0x106: {  	_ =	swait.ge [sflag:s20], $0x1400  }
0x107: {  	[sflag:s20] =	ssyncset.done $0x0  }
0x108: {  	[sflag:s20] =	ssyncadd.s32 $0xFFFFEC00  }
0x109: {  	[bflag:$0x0] =	sbarrier.arrive $0xFFFF  }
0x10a: {  	_ =	strace $0x90000052  }
0x10b: {  	s23 =	simm.s32 $0x0;
	_ =	strace $0x80000053  }
0x10c: {  	v4 =	vld [tilespmem:s23+$0x6720]  }
0x10d: {  	v5 =	vld [tilespmem:s23+$0x6860];
	_ =	sdelay $0x1  }
0x10e: {  	v6 =	vld [tilespmem:s23+$0x69A0];
	_ =	sdelay $0x1  }
0x10f: {  	v7 =	vld [tilespmem:s23+$0x6AE0]  }
0x110: {  	vm0 =	vgt.s32 v4, v5  }
0x111: {  	v4 =	vsel vm0, v4, v5;
	v5 =	vld [tilespmem:s23+$0x6C20]  }
0x112: {  	vm0 =	vgt.s32 v4, v6  }
0x113: {  	v4 =	vsel vm0, v4, v6;
	v6 =	vld [tilespmem:s23+$0x6D60]  }
0x114: {  	vm0 =	vgt.s32 v4, v7  }
0x115: {  	v4 =	vsel vm0, v4, v7;
	v7 =	vld [tilespmem:s23+$0x6EA0]  }
0x116: {  	vm0 =	vgt.s32 v4, v5  }
0x117: {  	v4 =	vsel vm0, v4, v5;
	v5 =	vld [tilespmem:s23+$0x6FE0]  }
0x118: {  	vm0 =	vgt.s32 v4, v6  }
0x119: {  	v4 =	vsel vm0, v4, v6;
	v6 =	vld [tilespmem:s23+$0x7120]  }
0x11a: {  	s12 =	simm.s32 $0x10;
	v8 =	vld [tilespmem:s23+$0x7260];
	vm0 =	vgt.s32 v4, v7  }
0x11b: {  	v9 =	vld [tilespmem:s12+$0x6720];
	v4 =	vsel vm0, v4, v7  }
0x11c: {  	v7 =	vld [tilespmem:s12+$0x6860];
	vm0 =	vgt.s32 v4, v5  }
0x11d: {  	v10 =	vld [tilespmem:s23+$0x73A0];
	v4 =	vsel vm0, v4, v5  }
0x11e: {  	v5 =	vld [tilespmem:s12+$0x69A0];
	vm0 =	vgt.s32 v4, v6  }
0x11f: {  	v4 =	vsel vm0, v4, v6;
	v6 =	vld [tilespmem:s23+$0x74E0]  }
0x120: {  	v11 =	vld [tilespmem:s12+$0x6AE0];
	vm0 =	vgt.s32 v4, v8  }
0x121: {  	vm1 =	vgt.s32 v9, v7;
	v4 =	vsel vm0, v4, v8;
	v8 =	vld [tilespmem:s23+$0x7620]  }
0x122: {  	v7 =	vsel vm1, v9, v7;
	v9 =	vld [tilespmem:s12+$0x6C20];
	vm0 =	vgt.s32 v4, v10  }
0x123: {  	v12 =	vld [tilespmem:s23+$0x7760];
	vm1 =	vgt.s32 v7, v5;
	v4 =	vsel vm0, v4, v10  }
0x124: {  	v13 =	vld [tilespmem:s12+$0x6D60];
	v5 =	vsel vm1, v7, v5;
	vm0 =	vgt.s32 v4, v6  }
0x125: {  	vm1 =	vgt.s32 v5, v11;
	v4 =	vsel vm0, v4, v6;
	v6 =	vld [tilespmem:s23+$0x78A0]  }
0x126: {  	v10 =	vsel vm1, v5, v11;
	v5 =	vld [tilespmem:s12+$0x6EA0];
	vm0 =	vgt.s32 v4, v8  }
0x127: {  	v7 =	vld [tilespmem:s23+$0x79E0];
	vm1 =	vgt.s32 v10, v9;
	v11 =	vsel vm0, v4, v8  }
0x128: {  	v9 =	vsel vm1, v10, v9;
	v8 =	vld [tilespmem:s12+$0x6FE0];
	vm0 =	vgt.s32 v11, v12  }
0x129: {  	v4 =	vld [tilespmem:s12+$0x73A0];
	vm1 =	vgt.s32 v9, v13;
	v10 =	vsel vm0, v11, v12  }
0x12a: {  	s24 =	simm.s32 $0x80;
	v11 =	vsel vm1, v9, v13;
	v9 =	vld [tilespmem:s12+$0x7120];
	vm0 =	vgt.s32 v10, v6  }
.LBB2_12:
0x12b: {  	s13 =	sshra.s32 s24, $0x2;
	p0 =	sne.s32 s24, $0x4C0;
	s24 =	sadd.s32 $0x40, s24;
	vm1 =	vgt.s32 v11, v5;
	v12 =	vld [tilespmem:s12+$0x7260];
	v6 =	vsel vm0, v10, v6  }
0x12c: {  	v10 =	vld [tilespmem:s13+$0x6720];
	v5 =	vsel vm1, v11, v5;
	vm0 =	vgt.s32 v6, v7  }
0x12d: {  	v11 =	vld [tilespmem:s13+$0x6860];
	vm1 =	vgt.s32 v5, v8;
	v6 =	vsel vm0, v6, v7  }
0x12e: {  	v7 =	vld [tilespmem:s13+$0x69A0];
	v5 =	vsel vm1, v5, v8;
	vm0 =	vgt.s32 v6, $0xFFFFFFFF;
	vm1 =	vgt.s32 v6, $0x0  }
0x12f: {  	v8 =	vld [tilespmem:s13+$0x6AE0];
	vm2 =	vgt.s32 v5, v9;
	v6 =	vnsel vm1, $0x0, v6  }
0x130: {  	v5 =	vsel vm2, v5, v9;
	v9 =	vld [tilespmem:s12+$0x74E0];
	[tilespmem:s23+$0x7B20] =	vst v6  }
0x131: {  	vm1 =	vgt.s32 v5, v12;
	v13 =	vld [tilespmem:s12+$0x7760]  }
0x132: {  	vm2 =	vgt.s32 v10, v11;
	v5 =	vsel vm1, v5, v12;
	v12 =	vld [tilespmem:s12+$0x7620]  }
0x133: {  	v10 =	vsel vm2, v10, v11;
	v11 =	vld [tilespmem:s13+$0x6C20];
	vm1 =	vgt.s32 v5, v4  }
0x134: {  	vm2 =	vgt.s32 v10, v7;
	v4 =	vsel vm1, v5, v4;
	v14 =	vld.idx.msk [tilespmem:v6+s18+$0x0], $0xffff;
	v5 =	vsel vm0, $0x3F800000, v3  }
0x135: {  	v7 =	vsel vm2, v10, v7;
	v15 =	vld [tilespmem:s13+$0x6D60];
	vm0 =	vgt.s32 v4, v9;
	[tilespmem:s23+$0x7DA0] =	vst v5  }
0x136: {  	vm1 =	vgt.s32 v7, v8;
	v4 =	vsel vm0, v4, v9;
	v6 =	vld [tilespmem:s12+$0x78A0]  }
.Ltmp5:
0x137: {  	v8 =	vsel vm1, v7, v8;
	v5 =	vld [tilespmem:s13+$0x6EA0];
	vm0 =	vgt.s32 v4, v12;
	(pc) =	sbr.rel @p0 .LBB2_12-.Ltmp5, $4  }
0x138: {  	vm1 =	vgt.s32 v8, v11;
	v9 =	vsel vm0, v4, v12;
	v7 =	vld [tilespmem:s12+$0x79E0]  }
0x139: {  	v11 =	vsel vm1, v8, v11;
	v8 =	vld [tilespmem:s13+$0x6FE0];
	vm0 =	vgt.s32 v9, v13  }
0x13a: {  	vm1 =	vgt.s32 v11, v15;
	v4 =	vld [tilespmem:s13+$0x73A0];
	v10 =	vsel vm0, v9, v13;
	[tilespmem:s23+$0x7C60] =	vst v14;
	s23 =	smov.u32 s12;
	s12 =	smov.u32 s13  }
0x13b: {  	v11 =	vsel vm1, v11, v15;
	v9 =	vld [tilespmem:s12+$0x7120];
	vm0 =	vgt.s32 v10, v6  }
0x13c: {  	vm1 =	vgt.s32 v11, v5  }
0x13d: {  	v6 =	vsel vm0, v10, v6;
	v57 =	vld [tilespmem:s12+$0x7260];
	v5 =	vsel vm1, v11, v5  }
0x13e: {  	vm0 =	vgt.s32 v6, v7;
	vm1 =	vgt.s32 v5, v8  }
0x13f: {  	v6 =	vsel vm0, v6, v7;
	v5 =	vsel vm1, v5, v8  }
0x140: {  	vm0 =	vgt.s32 v6, $0x0;
	vm1 =	vgt.s32 v5, v9  }
0x141: {  	v58 =	vld [tilespmem:s12+$0x74E0];
	v7 =	vnsel vm0, $0x0, v6;
	v5 =	vsel vm1, v5, v9  }
0x142: {  	[tilespmem:s23+$0x7B20] =	vst v7;
	vm11 =	vgt.s32 v5, v57  }
0x143: {  	v59 =	vld [tilespmem:s12+$0x7620];
	v5 =	vsel vm11, v5, v57  }
0x144: {  	vm12 =	vgt.s32 v6, $0xFFFFFFFF;
	vm13 =	vgt.s32 v5, v4  }
0x145: {  	v61 =	vsel vm12, $0x3F800000, v3;
	v60 =	vld [tilespmem:s12+$0x7760];
	v4 =	vsel vm13, v5, v4  }
0x146: {  	v5 =	vld.idx.msk [tilespmem:v7+s18+$0x0], $0xffff;
	[tilespmem:s23+$0x7DA0] =	vst v61;
	vm14 =	vgt.s32 v4, v58  }
0x147: {  	v7 =	vld [tilespmem:s12+$0x78A0];
	v4 =	vsel vm14, v4, v58  }
0x148: {  	vm0 =	vgt.s32 v4, v59  }
0x149: {  	v62 =	vld [tilespmem:s12+$0x79E0];
	v4 =	vsel vm0, v4, v59  }
0x14a: {  	vm0 =	vgt.s32 v4, v60  }
0x14b: {  	v4 =	vsel vm0, v4, v60  }
0x14c: {  	vm0 =	vgt.s32 v4, v7  }
0x14d: {  	v4 =	vsel vm0, v4, v7  }
0x14e: {  	vm0 =	vgt.s32 v4, v62  }
0x14f: {  	v4 =	vsel vm0, v4, v62  }
0x150: {  	vm0 =	vgt.s32 v4, $0x0  }
0x151: {  	v63 =	vnsel vm0, $0x0, v4;
	_ =	sdelay $0x2  }
0x152: {  	[tilespmem:s23+$0x7C60] =	vst v5  }
0x153: {  	[tilespmem:s12+$0x7B20] =	vst v63  }
0x154: {  	v5 =	vld.idx.msk [tilespmem:v63+s18+$0x0], $0xffff;
	_ =	sdelay $0x1  }
0x155: {  	vm15 =	vgt.s32 v4, $0xFFFFFFFF  }
0x156: {  	v4 =	vsel vm15, $0x3F800000, v3  }
0x157: {  	[tilespmem:s12+$0x7DA0] =	vst v4  }
0x158: {  	[tilespmem:s12+$0x7C60] =	vst v5  }
0x159: {  	_ =	strace $0x90000053  }
0x15a: {  	_ =	strace $0x80000054  }
0x15b: {  	[tilespmem:s29], [sflag:$0x1] =	stream.indirect.gather [spmem:s3], $0x20, s28, s26, $0x2000b8;
	[tilespmem:$0x15720] =	vst v63  }
0x15c: {  	_ = 	snop  }
0x15d: {  	[tilespmem:s31], [sflag:$0x1] =	stream.indirect.gather [spmem:s3], $0x20, s30, s26, $0x2000b8;
	[tilespmem:$0x15720] =	vst v63  }
0x15e: {  	_ = 	snop  }
0x15f: {  	[tilespmem:s1], [sflag:$0x1] =	stream.indirect.gather [spmem:s3], $0x20, s2, s26, $0x2000b8;
	[tilespmem:$0x15720] =	vst v63  }
0x160: {  	_ = 	snop  }
0x161: {  	[tilespmem:s6], [sflag:$0x1] =	stream.indirect.gather [spmem:s3], $0x20, s0, s26, $0x2000b8;
	[tilespmem:$0x15720] =	vst v63  }
0x162: {  	_ =	swait.ge [sflag:s7], $0xA00  }
0x163: {  	[sflag:s7] =	ssyncset.done $0x0  }
0x164: {  	[sflag:s7] =	ssyncadd.s32 $0xFFFFF600  }
0x165: {  	_ =	swait.ge [sflag:s7], $0xA00  }
0x166: {  	[sflag:s7] =	ssyncset.done $0x0  }
0x167: {  	[sflag:s7] =	ssyncadd.s32 $0xFFFFF600  }
0x168: {  	_ =	swait.ge [sflag:s7], $0xA00  }
0x169: {  	[sflag:s7] =	ssyncset.done $0x0  }
0x16a: {  	[sflag:s7] =	ssyncadd.s32 $0xFFFFF600  }
0x16b: {  	_ =	swait.ge [sflag:s7], $0xA00  }
0x16c: {  	[sflag:s7] =	ssyncset.done $0x0  }
0x16d: {  	[sflag:s7] =	ssyncadd.s32 $0xFFFFF600  }
0x16e: {  	_ =	strace $0x90000054  }
0x16f: {  	_ =	strace $0x80000055  }
0x170: {  	[hbm4b:s14+s5] =	stream.linear.scatter [tilespmem:s29], [sflag:$0x3], $0x2800, $0x200038;
	[tilespmem:$0x15720] =	vst v63  }
0x171: {  	_ =	swait.ge [sflag:s20], $0x2800  }
0x172: {  	[sflag:s20] =	ssyncset.done $0x0  }
0x173: {  	[sflag:s20] =	ssyncadd.s32 $0xFFFFD800  }
0x174: {  	[hbm4b:s15+s5] =	stream.linear.scatter [tilespmem:s10], [sflag:$0x3], $0x140, $0x200038;
	[tilespmem:$0x15720] =	vst v63  }
0x175: {  	_ =	swait.ge [sflag:s20], $0x140  }
0x176: {  	s11 =	sadd.s32 $0x1, s11;
	[sflag:s20] =	ssyncset.done $0x0  }
0x177: {  	p0 =	sne.s32 s11, s17;
	[sflag:s20] =	ssyncadd.s32 $0xFFFFFEC0  }
0x178: {  	[hbm4b:s16+s5] =	stream.linear.scatter [tilespmem:s22], [sflag:$0x3], $0x140, $0x200038;
	[tilespmem:$0x15720] =	vst v63  }
.Ltmp6:
0x179: {  	_ = 	snop;
	(pc) =	sbr.rel @p0 .LBB2_1-.Ltmp6, $4  }
0x17a: {  	_ =	swait.ge [sflag:s20], $0x140  }
0x17b: {  	[sflag:s20] =	ssyncset.done $0x0  }
0x17c: {  	[sflag:s20] =	ssyncadd.s32 $0xFFFFFEC0  }
0x17d: {  	_ =	strace $0x90000055  }
0x17e: {  	_ =	sfence.sel $0x180000  }
0x17f: {  	[bflag:$0x0] =	sbarrier.arrive $0xFFFF  }
0x180: {  	_ =	strace $0x90000047  }
0x181: {  	s0 =	stileid.u32;
	[bflag:$0x2] =	sbarrier.arrive $0xFFFF  }
0x182: {  	p0 =	sne.s32 s0, $0x0;
	s0 =	rddreg [dreg:$0x5]  }
0x183: {  	s0 =	sadd.s32 @!p0 $0x100000, s0  }
0x184: {  	[sflag:s0] =	ssyncadd.tile.s32 @!p0 $0x1;
	_ =	shalt  }
.Lfunc_end2:
_tile_overlayer_lowered:
.L_overlay_start_2:
0x185: {  	(tag) =	ssettag $0x2  }
0x186: {  	s0 =	rddreg [dreg:$0x0];
	s2 =	stileid.u32  }
0x187: {  	s1 =	rddreg [dreg:$0x1];
	p0 =	sne.s32 s2, $0x0  }
0x188: {  	s3 =	rddreg [dreg:$0x2];
	[bflag:$0x3] =	sbarrier.arrive $0xFFFF;
	s2 =	simm.s32 @!p0 $0x1C03  }
0x189: {  	[timem:s3], [sflag:s2] =	dma.local @!p0 [hbm:s0], s1  }
0x18a: {  	s0 =	simm.s32 @!p0 $0x3  }
0x18b: {  	_ =	swait.ge @!p0 [sflag:s0], s1  }
0x18c: {  	s1 =	ssub.s32 @!p0 $0x0, s1;
	[sflag:s0] =	ssyncset.done @!p0 $0x0  }
0x18d: {  	[sflag:s0] =	ssyncadd.s32 @!p0 s1  }
0x18e: {  	[bflag:$0x3] =	sbarrier.arrive $0xFFFF  }
0x18f: {  	_ =	shalt  }

</sc_bundles>
